<compile_context>
chip_gen: v7x
topology: tpu7x:2x2x1
jax: 0.10.2.dev20260603
libtpu: 0.0.44.dev20260713+nightly
codegen_flags: <defaults>
</compile_context>

<pallas_src>
import functools

import jax
import jax.numpy as jnp
from jax import lax
from jax.experimental import pallas as pl
from jax.experimental.pallas import tpu as pltpu
from jax.experimental.pallas import tpu_sc as plsc

NC = 2
NS = 16
L = 16
NW = NC * NS

D = 10
TILE = 1024
GRP = 4
BLK = GRP * TILE


@functools.lru_cache(maxsize=None)
def _build(t8n: int, bbn: int):
    n_idx = t8n * bbn * TILE
    vecs = BLK // L

    mesh = plsc.VectorSubcoreMesh(core_axis_name="c", subcore_axis_name="s")

    @functools.partial(
        pl.kernel,
        mesh=mesh,
        out_type=jax.ShapeDtypeStruct((n_idx * D,), jnp.float32),
        scratch_types=[
            pltpu.VMEM((2 * BLK,), jnp.int32),
            pltpu.VMEM((2 * D * BLK,), jnp.float32),
            pltpu.VMEM((112,), jnp.float32),
            pltpu.SemaphoreType.DMA((2,)),
            pltpu.SemaphoreType.DMA((2,)),
        ],
        compiler_params=pltpu.CompilerParams(needs_layout_passes=False),
    )
    def k(idx_hbm, tbl_hbm, out_hbm, idx_v, out_v, tbl_v, in_sems, out_sems):
        wid = lax.axis_index("s") * NC + lax.axis_index("c")

        pltpu.sync_copy(tbl_hbm, tbl_v.at[pl.ds(0, 100)])
        cols2 = []
        for d in range(D):
            c = tbl_v[pl.ds(d * D, L)]
            cols2.append(c + c)

        gather_dnums = lax.GatherDimensionNumbers(
            offset_dims=(), collapsed_slice_dims=(0,), start_index_map=(0,)
        )

        def dyn_gather(src, idx):
            return lax.gather(
                src,
                idx[:, None],
                gather_dnums,
                slice_sizes=(1,),
                mode=lax.GatherScatterMode.PROMISE_IN_BOUNDS,
            )

        def in_copy(t8, b):
            x_off = (t8 * bbn + wid * GRP) * TILE
            return pltpu.make_async_copy(
                idx_hbm.at[pl.ds(x_off, BLK)],
                idx_v.at[pl.ds(b * BLK, BLK)],
                in_sems.at[b],
            )

        def out_copy(t8, b, d):
            out_off = ((d * t8n + t8) * bbn + wid * GRP) * TILE
            return pltpu.make_async_copy(
                out_v.at[pl.ds((b * D + d) * BLK, BLK)],
                out_hbm.at[pl.ds(out_off, BLK)],
                out_sems.at[b],
            )

        in_copy(0, 0).start()

        def blk_body(t8, carry):
            b = lax.rem(t8, 2)
            in_copy(t8, b).wait()

            @pl.when(t8 + 1 < t8n)
            def _():
                in_copy(t8 + 1, 1 - b).start()

            @pl.when(t8 >= 2)
            def _():
                for d in range(D):
                    out_copy(t8 - 2, b, d).wait()

            obase = b * D * BLK

            @plsc.parallel_loop(0, vecs, unroll=4)
            def vec_body(kv):
                vidx = idx_v[pl.ds(b * BLK + kv * L, L)]
                for d in range(D):
                    out_v[pl.ds(obase + d * BLK + kv * L, L)] = dyn_gather(
                        cols2[d], vidx
                    )

            for d in range(D):
                out_copy(t8, b, d).start()
            return carry

        lax.fori_loop(0, t8n, blk_body, 0)
        for d in range(D):
            out_copy(t8n - 2, (t8n - 2) % 2, d).wait()
            out_copy(t8n - 1, (t8n - 1) % 2, d).wait()

    return k


def kernel(x, W):
    b, t = x.shape
    bbn = b // 128
    t8n = t // 8
    xq = x.reshape(bbn, 128, t8n, 8)
    xp = xq.transpose(2, 0, 3, 1).reshape(-1).astype(jnp.int32)
    wt = jnp.transpose(W).reshape(-1).astype(jnp.float32)
    out_flat = _build(t8n, bbn)(xp, wt)
    out5 = out_flat.reshape(D, t8n, bbn, 8, 128)
    return out5.transpose(2, 4, 1, 3, 0).reshape(b, t, D)

# --- scband reference (transcript-rebuilt; emitter-appended) ---
"""Pipeline reference for scband-shared-embedding-add-model-36764920054593 (READ-ONLY COPY).

The authoritative reference and input builder live on the scoring server;
editing this copy changes nothing except your own understanding.
"""

import jax, jax.numpy as jnp
import numpy as np


def setup_inputs(seed: int = 0) -> dict:
    key = jax.random.key(seed)
    k1, k2 = jax.random.split(key)
    x = jax.random.randint(k1, (16384, 200), 0, 10, dtype=jnp.int64)
    W = jax.random.normal(k2, (10, 10), dtype=jnp.float32)
    return {"x": x, "W": W}


def reference(x, W):
    # SharedEmbeddingAddModel.forward: two lookups into the shared table, then add
    y1 = jnp.take(W, x, axis=0)
    y2 = jnp.take(W, x, axis=0)
    return y1 + y2

if __name__ == "__main__":
    import jax
    _d = setup_inputs()
    print(jax.jit(kernel)(*tuple(_d.values())))

</pallas_src>

<mosaic_0001>
#map = affine_map<(d0, d1) -> (0)>
module attributes {stable_mosaic.version = 14 : i64} {
  func.func @k(%arg0: i32, %arg1: i32, %arg2: memref<3276800xi32, #tpu.memory_space<hbm>>, %arg3: memref<100xf32, #tpu.memory_space<hbm>>, %arg4: memref<32768000xf32, #tpu.memory_space<hbm>>, %arg5: memref<8192xi32, #tpu.memory_space<vmem>>, %arg6: memref<81920xf32, #tpu.memory_space<vmem>>, %arg7: memref<112xf32, #tpu.memory_space<vmem>>, %arg8: memref<2x!tpu.dma_semaphore, #tpu.memory_space<semaphore_mem>>, %arg9: memref<2x!tpu.dma_semaphore, #tpu.memory_space<semaphore_mem>>) attributes {dimension_semantics = [#tpu.dimension_semantics<core_parallel>, #tpu.dimension_semantics<subcore_parallel>], iteration_bounds = array<i64: 2, 16>, scalar_prefetch = 0 : i64, scratch_operands = 5 : i64, tpu.core_type = #tpu.core_type<sc_vector_subcore>, window_params = [{transform_indices = #map}, {transform_indices = #map}, {transform_indices = #map}]} {
    %mul3A = arith.constant 2 : i32
    %mul3A_0 = arith.muli %arg1, %mul3A : i32
    %add3A = arith.addi %mul3A_0, %arg0 : i32
    "tpu.region"() ({
      %run_scoped3A = tpu.sem_alloc : memref<!tpu.dma_semaphore, #tpu.memory_space<semaphore_mem>>
      %dma_start3A_348 = arith.constant 0 : i32
      %dma_start3A_349 = tpu.memref_slice %arg7[%dma_start3A_348] : memref<112xf32, #tpu.memory_space<vmem>> -> memref<100xf32, #tpu.memory_space<vmem>>
      %dma_start3A_350 = arith.constant 0 : i32
      %dma_start3A_351 = tpu.memref_slice %arg7[%dma_start3A_350] : memref<112xf32, #tpu.memory_space<vmem>> -> memref<100xf32, #tpu.memory_space<vmem>>
      tpu.enqueue_dma source(%arg3 : memref<100xf32, #tpu.memory_space<hbm>>) target(%dma_start3A_351 : memref<100xf32, #tpu.memory_space<vmem>>) target_semaphore(%run_scoped3A : memref<!tpu.dma_semaphore, #tpu.memory_space<semaphore_mem>>)
      %dma_wait3A_352 = arith.constant 0 : i32
      %dma_wait3A_353 = tpu.memref_slice %arg7[%dma_wait3A_352] : memref<112xf32, #tpu.memory_space<vmem>> -> memref<100xf32, #tpu.memory_space<vmem>>
      %dma_wait3A_354 = arith.constant 0 : i32
      %dma_wait3A_355 = tpu.memref_slice %arg7[%dma_wait3A_354] : memref<112xf32, #tpu.memory_space<vmem>> -> memref<100xf32, #tpu.memory_space<vmem>>
      tpu.wait_dma2 semaphore(%run_scoped3A : memref<!tpu.dma_semaphore, #tpu.memory_space<semaphore_mem>>) src(%arg3 : memref<100xf32, #tpu.memory_space<hbm>>) dst(%dma_wait3A_355 : memref<100xf32, #tpu.memory_space<vmem>>)
      tpu.yield
    }) : () -> ()
    %get3A = arith.constant 0 : index
    %get3A_1 = tpu.vector_load %arg7[%get3A] {strides = array<i32>} : memref<112xf32, #tpu.memory_space<vmem>>, vector<16xf32>,
    %add3A_2 = arith.addf %get3A_1, %get3A_1 : vector<16xf32>
    %get3A_3 = arith.constant 10 : index
    %get3A_4 = tpu.vector_load %arg7[%get3A_3] {strides = array<i32>} : memref<112xf32, #tpu.memory_space<vmem>>, vector<16xf32>,
    %add3A_5 = arith.addf %get3A_4, %get3A_4 : vector<16xf32>
    %get3A_6 = arith.constant 20 : index
    %get3A_7 = tpu.vector_load %arg7[%get3A_6] {strides = array<i32>} : memref<112xf32, #tpu.memory_space<vmem>>, vector<16xf32>,
    %add3A_8 = arith.addf %get3A_7, %get3A_7 : vector<16xf32>
    %get3A_9 = arith.constant 30 : index
    %get3A_10 = tpu.vector_load %arg7[%get3A_9] {strides = array<i32>} : memref<112xf32, #tpu.memory_space<vmem>>, vector<16xf32>,
    %add3A_11 = arith.addf %get3A_10, %get3A_10 : vector<16xf32>
    %get3A_12 = arith.constant 40 : index
    %get3A_13 = tpu.vector_load %arg7[%get3A_12] {strides = array<i32>} : memref<112xf32, #tpu.memory_space<vmem>>, vector<16xf32>,
    %add3A_14 = arith.addf %get3A_13, %get3A_13 : vector<16xf32>
    %get3A_15 = arith.constant 50 : index
    %get3A_16 = tpu.vector_load %arg7[%get3A_15] {strides = array<i32>} : memref<112xf32, #tpu.memory_space<vmem>>, vector<16xf32>,
    %add3A_17 = arith.addf %get3A_16, %get3A_16 : vector<16xf32>
    %get3A_18 = arith.constant 60 : index
    %get3A_19 = tpu.vector_load %arg7[%get3A_18] {strides = array<i32>} : memref<112xf32, #tpu.memory_space<vmem>>, vector<16xf32>,
    %add3A_20 = arith.addf %get3A_19, %get3A_19 : vector<16xf32>
    %get3A_21 = arith.constant 70 : index
    %get3A_22 = tpu.vector_load %arg7[%get3A_21] {strides = array<i32>} : memref<112xf32, #tpu.memory_space<vmem>>, vector<16xf32>,
    %add3A_23 = arith.addf %get3A_22, %get3A_22 : vector<16xf32>
    %get3A_24 = arith.constant 80 : index
    %get3A_25 = tpu.vector_load %arg7[%get3A_24] {strides = array<i32>} : memref<112xf32, #tpu.memory_space<vmem>>, vector<16xf32>,
    %add3A_26 = arith.addf %get3A_25, %get3A_25 : vector<16xf32>
    %get3A_27 = arith.constant 90 : index
    %get3A_28 = tpu.vector_load %arg7[%get3A_27] {strides = array<i32>} : memref<112xf32, #tpu.memory_space<vmem>>, vector<16xf32>,
    %add3A_29 = arith.addf %get3A_28, %get3A_28 : vector<16xf32>
    %mul3A_30 = arith.constant 4 : i32
    %mul3A_31 = arith.muli %add3A, %mul3A_30 : i32
    %add3A_32 = arith.constant 0 : i32
    %add3A_33 = arith.addi %add3A_32, %mul3A_31 : i32
    %mul3A_34 = arith.constant 1024 : i32
    %mul3A_35 = arith.muli %add3A_33, %mul3A_34 : i32
    %dma_start3A = arith.constant 0 : i32
    %dma_start3A_36 = arith.constant 0 : i32
    %dma_start3A_37 = tpu.memref_slice %arg5[%dma_start3A_36] : memref<8192xi32, #tpu.memory_space<vmem>> -> memref<4096xi32, #tpu.memory_space<vmem>>
    %dma_start3A_38 = tpu.memref_slice %arg2[%mul3A_35] : memref<3276800xi32, #tpu.memory_space<hbm>> -> memref<4096xi32, #tpu.memory_space<hbm>>
    %dma_start3A_39 = tpu.memref_slice %arg8[%dma_start3A] : memref<2x!tpu.dma_semaphore, #tpu.memory_space<semaphore_mem>> -> memref<1x!tpu.dma_semaphore, #tpu.memory_space<semaphore_mem>>
    %dma_start3A_40 = tpu.memref_squeeze %dma_start3A_39 : memref<1x!tpu.dma_semaphore, #tpu.memory_space<semaphore_mem>> -> memref<!tpu.dma_semaphore, #tpu.memory_space<semaphore_mem>>
    %dma_start3A_41 = arith.constant 0 : i32
    %dma_start3A_42 = tpu.memref_slice %arg5[%dma_start3A_41] : memref<8192xi32, #tpu.memory_space<vmem>> -> memref<4096xi32, #tpu.memory_space<vmem>>
    %dma_start3A_43 = tpu.memref_slice %arg2[%mul3A_35] : memref<3276800xi32, #tpu.memory_space<hbm>> -> memref<4096xi32, #tpu.memory_space<hbm>>
    tpu.enqueue_dma source(%dma_start3A_43 : memref<4096xi32, #tpu.memory_space<hbm>>) target(%dma_start3A_42 : memref<4096xi32, #tpu.memory_space<vmem>>) target_semaphore(%dma_start3A_40 : memref<!tpu.dma_semaphore, #tpu.memory_space<semaphore_mem>>)
    %scan3A = arith.constant 0 : i32
    %scan3A_44 = arith.constant 0 : i32
    %scan3A_45 = arith.constant 25 : i32
    %scan3A_46 = arith.addi %scan3A_44, %scan3A_45 : i32
    %scan3A_47 = arith.constant 1 : i32
    scf.for %scan3A_348 = %scan3A_44 to %scan3A_46 step %scan3A_47  : i32 {
      %rem3A = arith.constant 2 : i32
      %rem3A_349 = arith.remsi %scan3A_348, %rem3A : i32
      %mul3A_350 = arith.constant 128 : i32
      %mul3A_351 = arith.muli %scan3A_348, %mul3A_350 : i32
      %mul3A_352 = arith.constant 4 : i32
      %mul3A_353 = arith.muli %add3A, %mul3A_352 : i32
      %add3A_354 = arith.addi %mul3A_351, %mul3A_353 : i32
      %mul3A_355 = arith.constant 1024 : i32
      %mul3A_356 = arith.muli %add3A_354, %mul3A_355 : i32
      %mul3A_357 = arith.constant 4096 : i32
      %mul3A_358 = arith.muli %rem3A_349, %mul3A_357 : i32
      %dma_wait3A_359 = tpu.memref_slice %arg5[%mul3A_358] : memref<8192xi32, #tpu.memory_space<vmem>> -> memref<4096xi32, #tpu.memory_space<vmem>>
      %dma_wait3A_360 = tpu.memref_slice %arg2[%mul3A_356] : memref<3276800xi32, #tpu.memory_space<hbm>> -> memref<4096xi32, #tpu.memory_space<hbm>>
      %dma_wait3A_361 = tpu.memref_slice %arg8[%rem3A_349] : memref<2x!tpu.dma_semaphore, #tpu.memory_space<semaphore_mem>> -> memref<1x!tpu.dma_semaphore, #tpu.memory_space<semaphore_mem>>
      %dma_wait3A_362 = tpu.memref_squeeze %dma_wait3A_361 : memref<1x!tpu.dma_semaphore, #tpu.memory_space<semaphore_mem>> -> memref<!tpu.dma_semaphore, #tpu.memory_space<semaphore_mem>>
      %dma_wait3A_363 = tpu.memref_slice %arg5[%mul3A_358] : memref<8192xi32, #tpu.memory_space<vmem>> -> memref<4096xi32, #tpu.memory_space<vmem>>
      %dma_wait3A_364 = tpu.memref_slice %arg2[%mul3A_356] : memref<3276800xi32, #tpu.memory_space<hbm>> -> memref<4096xi32, #tpu.memory_space<hbm>>
      tpu.wait_dma2 semaphore(%dma_wait3A_362 : memref<!tpu.dma_semaphore, #tpu.memory_space<semaphore_mem>>) src(%dma_wait3A_364 : memref<4096xi32, #tpu.memory_space<hbm>>) dst(%dma_wait3A_363 : memref<4096xi32, #tpu.memory_space<vmem>>)
      %add3A_365 = arith.constant 1 : i32
      %add3A_366 = arith.addi %scan3A_348, %add3A_365 : i32
      %lt3A = arith.constant 25 : i32
      %lt3A_367 = arith.cmpi slt, %add3A_366, %lt3A : i32
      %convert_element_type3A = arith.extui %lt3A_367 : i1 to i32
      %cond3A = arith.constant 0 : i32
      %cond3A_368 = arith.cmpi ne, %convert_element_type3A, %cond3A : i32
      scf.if %cond3A_368 {
        %add3A_589 = arith.constant 1 : i32
        %add3A_590 = arith.addi %scan3A_348, %add3A_589 : i32
        %sub3A = arith.constant 1 : i32
        %sub3A_591 = arith.subi %sub3A, %rem3A_349 : i32
        %mul3A_592 = arith.constant 128 : i32
        %mul3A_593 = arith.muli %add3A_590, %mul3A_592 : i32
        %mul3A_594 = arith.constant 4 : i32
        %mul3A_595 = arith.muli %add3A, %mul3A_594 : i32
        %add3A_596 = arith.addi %mul3A_593, %mul3A_595 : i32
        %mul3A_597 = arith.constant 1024 : i32
        %mul3A_598 = arith.muli %add3A_596, %mul3A_597 : i32
        %mul3A_599 = arith.constant 4096 : i32
        %mul3A_600 = arith.muli %sub3A_591, %mul3A_599 : i32
        %dma_start3A_601 = tpu.memref_slice %arg5[%mul3A_600] : memref<8192xi32, #tpu.memory_space<vmem>> -> memref<4096xi32, #tpu.memory_space<vmem>>
        %dma_start3A_602 = tpu.memref_slice %arg2[%mul3A_598] : memref<3276800xi32, #tpu.memory_space<hbm>> -> memref<4096xi32, #tpu.memory_space<hbm>>
        %dma_start3A_603 = tpu.memref_slice %arg8[%sub3A_591] : memref<2x!tpu.dma_semaphore, #tpu.memory_space<semaphore_mem>> -> memref<1x!tpu.dma_semaphore, #tpu.memory_space<semaphore_mem>>
        %dma_start3A_604 = tpu.memref_squeeze %dma_start3A_603 : memref<1x!tpu.dma_semaphore, #tpu.memory_space<semaphore_mem>> -> memref<!tpu.dma_semaphore, #tpu.memory_space<semaphore_mem>>
        %dma_start3A_605 = tpu.memref_slice %arg5[%mul3A_600] : memref<8192xi32, #tpu.memory_space<vmem>> -> memref<4096xi32, #tpu.memory_space<vmem>>
        %dma_start3A_606 = tpu.memref_slice %arg2[%mul3A_598] : memref<3276800xi32, #tpu.memory_space<hbm>> -> memref<4096xi32, #tpu.memory_space<hbm>>
        tpu.enqueue_dma source(%dma_start3A_606 : memref<4096xi32, #tpu.memory_space<hbm>>) target(%dma_start3A_605 : memref<4096xi32, #tpu.memory_space<vmem>>) target_semaphore(%dma_start3A_604 : memref<!tpu.dma_semaphore, #tpu.memory_space<semaphore_mem>>)
      } else {
      }
      %ge3A = arith.constant 2 : i32
      %ge3A_369 = arith.cmpi sge, %scan3A_348, %ge3A : i32
      %convert_element_type3A_370 = arith.extui %ge3A_369 : i1 to i32
      %cond3A_371 = arith.constant 0 : i32
      %cond3A_372 = arith.cmpi ne, %convert_element_type3A_370, %cond3A_371 : i32
      scf.if %cond3A_372 {
        %sub3A = arith.constant 2 : i32
        %sub3A_589 = arith.subi %scan3A_348, %sub3A : i32
        %add3A_590 = arith.constant 0 : i32
        %add3A_591 = arith.addi %add3A_590, %sub3A_589 : i32
        %mul3A_592 = arith.constant 128 : i32
        %mul3A_593 = arith.muli %add3A_591, %mul3A_592 : i32
        %mul3A_594 = arith.constant 4 : i32
        %mul3A_595 = arith.muli %add3A, %mul3A_594 : i32
        %add3A_596 = arith.addi %mul3A_593, %mul3A_595 : i32
        %mul3A_597 = arith.constant 1024 : i32
        %mul3A_598 = arith.muli %add3A_596, %mul3A_597 : i32
        %mul3A_599 = arith.constant 10 : i32
        %mul3A_600 = arith.muli %rem3A_349, %mul3A_599 : i32
        %add3A_601 = arith.constant 0 : i32
        %add3A_602 = arith.addi %mul3A_600, %add3A_601 : i32
        %mul3A_603 = arith.constant 4096 : i32
        %mul3A_604 = arith.muli %add3A_602, %mul3A_603 : i32
        %dma_wait3A_605 = tpu.memref_slice %arg6[%mul3A_604] : memref<81920xf32, #tpu.memory_space<vmem>> -> memref<4096xf32, #tpu.memory_space<vmem>>
        %dma_wait3A_606 = tpu.memref_slice %arg4[%mul3A_598] : memref<32768000xf32, #tpu.memory_space<hbm>> -> memref<4096xf32, #tpu.memory_space<hbm>>
        %dma_wait3A_607 = tpu.memref_slice %arg9[%rem3A_349] : memref<2x!tpu.dma_semaphore, #tpu.memory_space<semaphore_mem>> -> memref<1x!tpu.dma_semaphore, #tpu.memory_space<semaphore_mem>>
        %dma_wait3A_608 = tpu.memref_squeeze %dma_wait3A_607 : memref<1x!tpu.dma_semaphore, #tpu.memory_space<semaphore_mem>> -> memref<!tpu.dma_semaphore, #tpu.memory_space<semaphore_mem>>
        %dma_wait3A_609 = tpu.memref_slice %arg4[%mul3A_598] : memref<32768000xf32, #tpu.memory_space<hbm>> -> memref<4096xf32, #tpu.memory_space<hbm>>
        %dma_wait3A_610 = tpu.memref_slice %arg6[%mul3A_604] : memref<81920xf32, #tpu.memory_space<vmem>> -> memref<4096xf32, #tpu.memory_space<vmem>>
        tpu.wait_dma2 semaphore(%dma_wait3A_608 : memref<!tpu.dma_semaphore, #tpu.memory_space<semaphore_mem>>) src(%dma_wait3A_610 : memref<4096xf32, #tpu.memory_space<vmem>>) dst(%dma_wait3A_609 : memref<4096xf32, #tpu.memory_space<hbm>>)
        %sub3A_611 = arith.constant 2 : i32
        %sub3A_612 = arith.subi %scan3A_348, %sub3A_611 : i32
        %add3A_613 = arith.constant 25 : i32
        %add3A_614 = arith.addi %add3A_613, %sub3A_612 : i32
        %mul3A_615 = arith.constant 128 : i32
        %mul3A_616 = arith.muli %add3A_614, %mul3A_615 : i32
        %mul3A_617 = arith.constant 4 : i32
        %mul3A_618 = arith.muli %add3A, %mul3A_617 : i32
        %add3A_619 = arith.addi %mul3A_616, %mul3A_618 : i32
        %mul3A_620 = arith.constant 1024 : i32
        %mul3A_621 = arith.muli %add3A_619, %mul3A_620 : i32
        %mul3A_622 = arith.constant 10 : i32
        %mul3A_623 = arith.muli %rem3A_349, %mul3A_622 : i32
        %add3A_624 = arith.constant 1 : i32
        %add3A_625 = arith.addi %mul3A_623, %add3A_624 : i32
        %mul3A_626 = arith.constant 4096 : i32
        %mul3A_627 = arith.muli %add3A_625, %mul3A_626 : i32
        %dma_wait3A_628 = tpu.memref_slice %arg6[%mul3A_627] : memref<81920xf32, #tpu.memory_space<vmem>> -> memref<4096xf32, #tpu.memory_space<vmem>>
        %dma_wait3A_629 = tpu.memref_slice %arg4[%mul3A_621] : memref<32768000xf32, #tpu.memory_space<hbm>> -> memref<4096xf32, #tpu.memory_space<hbm>>
        %dma_wait3A_630 = tpu.memref_slice %arg9[%rem3A_349] : memref<2x!tpu.dma_semaphore, #tpu.memory_space<semaphore_mem>> -> memref<1x!tpu.dma_semaphore, #tpu.memory_space<semaphore_mem>>
        %dma_wait3A_631 = tpu.memref_squeeze %dma_wait3A_630 : memref<1x!tpu.dma_semaphore, #tpu.memory_space<semaphore_mem>> -> memref<!tpu.dma_semaphore, #tpu.memory_space<semaphore_mem>>
        %dma_wait3A_632 = tpu.memref_slice %arg4[%mul3A_621] : memref<32768000xf32, #tpu.memory_space<hbm>> -> memref<4096xf32, #tpu.memory_space<hbm>>
        %dma_wait3A_633 = tpu.memref_slice %arg6[%mul3A_627] : memref<81920xf32, #tpu.memory_space<vmem>> -> memref<4096xf32, #tpu.memory_space<vmem>>
        tpu.wait_dma2 semaphore(%dma_wait3A_631 : memref<!tpu.dma_semaphore, #tpu.memory_space<semaphore_mem>>) src(%dma_wait3A_633 : memref<4096xf32, #tpu.memory_space<vmem>>) dst(%dma_wait3A_632 : memref<4096xf32, #tpu.memory_space<hbm>>)
        %sub3A_634 = arith.constant 2 : i32
        %sub3A_635 = arith.subi %scan3A_348, %sub3A_634 : i32
        %add3A_636 = arith.constant 50 : i32
        %add3A_637 = arith.addi %add3A_636, %sub3A_635 : i32
        %mul3A_638 = arith.constant 128 : i32
        %mul3A_639 = arith.muli %add3A_637, %mul3A_638 : i32
        %mul3A_640 = arith.constant 4 : i32
        %mul3A_641 = arith.muli %add3A, %mul3A_640 : i32
        %add3A_642 = arith.addi %mul3A_639, %mul3A_641 : i32
        %mul3A_643 = arith.constant 1024 : i32
        %mul3A_644 = arith.muli %add3A_642, %mul3A_643 : i32
        %mul3A_645 = arith.constant 10 : i32
        %mul3A_646 = arith.muli %rem3A_349, %mul3A_645 : i32
        %add3A_647 = arith.constant 2 : i32
        %add3A_648 = arith.addi %mul3A_646, %add3A_647 : i32
        %mul3A_649 = arith.constant 4096 : i32
        %mul3A_650 = arith.muli %add3A_648, %mul3A_649 : i32
        %dma_wait3A_651 = tpu.memref_slice %arg6[%mul3A_650] : memref<81920xf32, #tpu.memory_space<vmem>> -> memref<4096xf32, #tpu.memory_space<vmem>>
        %dma_wait3A_652 = tpu.memref_slice %arg4[%mul3A_644] : memref<32768000xf32, #tpu.memory_space<hbm>> -> memref<4096xf32, #tpu.memory_space<hbm>>
        %dma_wait3A_653 = tpu.memref_slice %arg9[%rem3A_349] : memref<2x!tpu.dma_semaphore, #tpu.memory_space<semaphore_mem>> -> memref<1x!tpu.dma_semaphore, #tpu.memory_space<semaphore_mem>>
        %dma_wait3A_654 = tpu.memref_squeeze %dma_wait3A_653 : memref<1x!tpu.dma_semaphore, #tpu.memory_space<semaphore_mem>> -> memref<!tpu.dma_semaphore, #tpu.memory_space<semaphore_mem>>
        %dma_wait3A_655 = tpu.memref_slice %arg4[%mul3A_644] : memref<32768000xf32, #tpu.memory_space<hbm>> -> memref<4096xf32, #tpu.memory_space<hbm>>
        %dma_wait3A_656 = tpu.memref_slice %arg6[%mul3A_650] : memref<81920xf32, #tpu.memory_space<vmem>> -> memref<4096xf32, #tpu.memory_space<vmem>>
        tpu.wait_dma2 semaphore(%dma_wait3A_654 : memref<!tpu.dma_semaphore, #tpu.memory_space<semaphore_mem>>) src(%dma_wait3A_656 : memref<4096xf32, #tpu.memory_space<vmem>>) dst(%dma_wait3A_655 : memref<4096xf32, #tpu.memory_space<hbm>>)
        %sub3A_657 = arith.constant 2 : i32
        %sub3A_658 = arith.subi %scan3A_348, %sub3A_657 : i32
        %add3A_659 = arith.constant 75 : i32
        %add3A_660 = arith.addi %add3A_659, %sub3A_658 : i32
        %mul3A_661 = arith.constant 128 : i32
        %mul3A_662 = arith.muli %add3A_660, %mul3A_661 : i32
        %mul3A_663 = arith.constant 4 : i32
        %mul3A_664 = arith.muli %add3A, %mul3A_663 : i32
        %add3A_665 = arith.addi %mul3A_662, %mul3A_664 : i32
        %mul3A_666 = arith.constant 1024 : i32
        %mul3A_667 = arith.muli %add3A_665, %mul3A_666 : i32
        %mul3A_668 = arith.constant 10 : i32
        %mul3A_669 = arith.muli %rem3A_349, %mul3A_668 : i32
        %add3A_670 = arith.constant 3 : i32
        %add3A_671 = arith.addi %mul3A_669, %add3A_670 : i32
        %mul3A_672 = arith.constant 4096 : i32
        %mul3A_673 = arith.muli %add3A_671, %mul3A_672 : i32
        %dma_wait3A_674 = tpu.memref_slice %arg6[%mul3A_673] : memref<81920xf32, #tpu.memory_space<vmem>> -> memref<4096xf32, #tpu.memory_space<vmem>>
        %dma_wait3A_675 = tpu.memref_slice %arg4[%mul3A_667] : memref<32768000xf32, #tpu.memory_space<hbm>> -> memref<4096xf32, #tpu.memory_space<hbm>>
        %dma_wait3A_676 = tpu.memref_slice %arg9[%rem3A_349] : memref<2x!tpu.dma_semaphore, #tpu.memory_space<semaphore_mem>> -> memref<1x!tpu.dma_semaphore, #tpu.memory_space<semaphore_mem>>
        %dma_wait3A_677 = tpu.memref_squeeze %dma_wait3A_676 : memref<1x!tpu.dma_semaphore, #tpu.memory_space<semaphore_mem>> -> memref<!tpu.dma_semaphore, #tpu.memory_space<semaphore_mem>>
        %dma_wait3A_678 = tpu.memref_slice %arg4[%mul3A_667] : memref<32768000xf32, #tpu.memory_space<hbm>> -> memref<4096xf32, #tpu.memory_space<hbm>>
        %dma_wait3A_679 = tpu.memref_slice %arg6[%mul3A_673] : memref<81920xf32, #tpu.memory_space<vmem>> -> memref<4096xf32, #tpu.memory_space<vmem>>
        tpu.wait_dma2 semaphore(%dma_wait3A_677 : memref<!tpu.dma_semaphore, #tpu.memory_space<semaphore_mem>>) src(%dma_wait3A_679 : memref<4096xf32, #tpu.memory_space<vmem>>) dst(%dma_wait3A_678 : memref<4096xf32, #tpu.memory_space<hbm>>)
        %sub3A_680 = arith.constant 2 : i32
        %sub3A_681 = arith.subi %scan3A_348, %sub3A_680 : i32
        %add3A_682 = arith.constant 100 : i32
        %add3A_683 = arith.addi %add3A_682, %sub3A_681 : i32
        %mul3A_684 = arith.constant 128 : i32
        %mul3A_685 = arith.muli %add3A_683, %mul3A_684 : i32
        %mul3A_686 = arith.constant 4 : i32
        %mul3A_687 = arith.muli %add3A, %mul3A_686 : i32
        %add3A_688 = arith.addi %mul3A_685, %mul3A_687 : i32
        %mul3A_689 = arith.constant 1024 : i32
        %mul3A_690 = arith.muli %add3A_688, %mul3A_689 : i32
        %mul3A_691 = arith.constant 10 : i32
        %mul3A_692 = arith.muli %rem3A_349, %mul3A_691 : i32
        %add3A_693 = arith.constant 4 : i32
        %add3A_694 = arith.addi %mul3A_692, %add3A_693 : i32
        %mul3A_695 = arith.constant 4096 : i32
        %mul3A_696 = arith.muli %add3A_694, %mul3A_695 : i32
        %dma_wait3A_697 = tpu.memref_slice %arg6[%mul3A_696] : memref<81920xf32, #tpu.memory_space<vmem>> -> memref<4096xf32, #tpu.memory_space<vmem>>
        %dma_wait3A_698 = tpu.memref_slice %arg4[%mul3A_690] : memref<32768000xf32, #tpu.memory_space<hbm>> -> memref<4096xf32, #tpu.memory_space<hbm>>
        %dma_wait3A_699 = tpu.memref_slice %arg9[%rem3A_349] : memref<2x!tpu.dma_semaphore, #tpu.memory_space<semaphore_mem>> -> memref<1x!tpu.dma_semaphore, #tpu.memory_space<semaphore_mem>>
        %dma_wait3A_700 = tpu.memref_squeeze %dma_wait3A_699 : memref<1x!tpu.dma_semaphore, #tpu.memory_space<semaphore_mem>> -> memref<!tpu.dma_semaphore, #tpu.memory_space<semaphore_mem>>
        %dma_wait3A_701 = tpu.memref_slice %arg4[%mul3A_690] : memref<32768000xf32, #tpu.memory_space<hbm>> -> memref<4096xf32, #tpu.memory_space<hbm>>
        %dma_wait3A_702 = tpu.memref_slice %arg6[%mul3A_696] : memref<81920xf32, #tpu.memory_space<vmem>> -> memref<4096xf32, #tpu.memory_space<vmem>>
        tpu.wait_dma2 semaphore(%dma_wait3A_700 : memref<!tpu.dma_semaphore, #tpu.memory_space<semaphore_mem>>) src(%dma_wait3A_702 : memref<4096xf32, #tpu.memory_space<vmem>>) dst(%dma_wait3A_701 : memref<4096xf32, #tpu.memory_space<hbm>>)
        %sub3A_703 = arith.constant 2 : i32
        %sub3A_704 = arith.subi %scan3A_348, %sub3A_703 : i32
        %add3A_705 = arith.constant 125 : i32
        %add3A_706 = arith.addi %add3A_705, %sub3A_704 : i32
        %mul3A_707 = arith.constant 128 : i32
        %mul3A_708 = arith.muli %add3A_706, %mul3A_707 : i32
        %mul3A_709 = arith.constant 4 : i32
        %mul3A_710 = arith.muli %add3A, %mul3A_709 : i32
        %add3A_711 = arith.addi %mul3A_708, %mul3A_710 : i32
        %mul3A_712 = arith.constant 1024 : i32
        %mul3A_713 = arith.muli %add3A_711, %mul3A_712 : i32
        %mul3A_714 = arith.constant 10 : i32
        %mul3A_715 = arith.muli %rem3A_349, %mul3A_714 : i32
        %add3A_716 = arith.constant 5 : i32
        %add3A_717 = arith.addi %mul3A_715, %add3A_716 : i32
        %mul3A_718 = arith.constant 4096 : i32
        %mul3A_719 = arith.muli %add3A_717, %mul3A_718 : i32
        %dma_wait3A_720 = tpu.memref_slice %arg6[%mul3A_719] : memref<81920xf32, #tpu.memory_space<vmem>> -> memref<4096xf32, #tpu.memory_space<vmem>>
        %dma_wait3A_721 = tpu.memref_slice %arg4[%mul3A_713] : memref<32768000xf32, #tpu.memory_space<hbm>> -> memref<4096xf32, #tpu.memory_space<hbm>>
        %dma_wait3A_722 = tpu.memref_slice %arg9[%rem3A_349] : memref<2x!tpu.dma_semaphore, #tpu.memory_space<semaphore_mem>> -> memref<1x!tpu.dma_semaphore, #tpu.memory_space<semaphore_mem>>
        %dma_wait3A_723 = tpu.memref_squeeze %dma_wait3A_722 : memref<1x!tpu.dma_semaphore, #tpu.memory_space<semaphore_mem>> -> memref<!tpu.dma_semaphore, #tpu.memory_space<semaphore_mem>>
        %dma_wait3A_724 = tpu.memref_slice %arg4[%mul3A_713] : memref<32768000xf32, #tpu.memory_space<hbm>> -> memref<4096xf32, #tpu.memory_space<hbm>>
        %dma_wait3A_725 = tpu.memref_slice %arg6[%mul3A_719] : memref<81920xf32, #tpu.memory_space<vmem>> -> memref<4096xf32, #tpu.memory_space<vmem>>
        tpu.wait_dma2 semaphore(%dma_wait3A_723 : memref<!tpu.dma_semaphore, #tpu.memory_space<semaphore_mem>>) src(%dma_wait3A_725 : memref<4096xf32, #tpu.memory_space<vmem>>) dst(%dma_wait3A_724 : memref<4096xf32, #tpu.memory_space<hbm>>)
        %sub3A_726 = arith.constant 2 : i32
        %sub3A_727 = arith.subi %scan3A_348, %sub3A_726 : i32
        %add3A_728 = arith.constant 150 : i32
        %add3A_729 = arith.addi %add3A_728, %sub3A_727 : i32
        %mul3A_730 = arith.constant 128 : i32
        %mul3A_731 = arith.muli %add3A_729, %mul3A_730 : i32
        %mul3A_732 = arith.constant 4 : i32
        %mul3A_733 = arith.muli %add3A, %mul3A_732 : i32
        %add3A_734 = arith.addi %mul3A_731, %mul3A_733 : i32
        %mul3A_735 = arith.constant 1024 : i32
        %mul3A_736 = arith.muli %add3A_734, %mul3A_735 : i32
        %mul3A_737 = arith.constant 10 : i32
        %mul3A_738 = arith.muli %rem3A_349, %mul3A_737 : i32
        %add3A_739 = arith.constant 6 : i32
        %add3A_740 = arith.addi %mul3A_738, %add3A_739 : i32
        %mul3A_741 = arith.constant 4096 : i32
        %mul3A_742 = arith.muli %add3A_740, %mul3A_741 : i32
        %dma_wait3A_743 = tpu.memref_slice %arg6[%mul3A_742] : memref<81920xf32, #tpu.memory_space<vmem>> -> memref<4096xf32, #tpu.memory_space<vmem>>
        %dma_wait3A_744 = tpu.memref_slice %arg4[%mul3A_736] : memref<32768000xf32, #tpu.memory_space<hbm>> -> memref<4096xf32, #tpu.memory_space<hbm>>
        %dma_wait3A_745 = tpu.memref_slice %arg9[%rem3A_349] : memref<2x!tpu.dma_semaphore, #tpu.memory_space<semaphore_mem>> -> memref<1x!tpu.dma_semaphore, #tpu.memory_space<semaphore_mem>>
        %dma_wait3A_746 = tpu.memref_squeeze %dma_wait3A_745 : memref<1x!tpu.dma_semaphore, #tpu.memory_space<semaphore_mem>> -> memref<!tpu.dma_semaphore, #tpu.memory_space<semaphore_mem>>
        %dma_wait3A_747 = tpu.memref_slice %arg4[%mul3A_736] : memref<32768000xf32, #tpu.memory_space<hbm>> -> memref<4096xf32, #tpu.memory_space<hbm>>
        %dma_wait3A_748 = tpu.memref_slice %arg6[%mul3A_742] : memref<81920xf32, #tpu.memory_space<vmem>> -> memref<4096xf32, #tpu.memory_space<vmem>>
        tpu.wait_dma2 semaphore(%dma_wait3A_746 : memref<!tpu.dma_semaphore, #tpu.memory_space<semaphore_mem>>) src(%dma_wait3A_748 : memref<4096xf32, #tpu.memory_space<vmem>>) dst(%dma_wait3A_747 : memref<4096xf32, #tpu.memory_space<hbm>>)
        %sub3A_749 = arith.constant 2 : i32
        %sub3A_750 = arith.subi %scan3A_348, %sub3A_749 : i32
        %add3A_751 = arith.constant 175 : i32
        %add3A_752 = arith.addi %add3A_751, %sub3A_750 : i32
        %mul3A_753 = arith.constant 128 : i32
        %mul3A_754 = arith.muli %add3A_752, %mul3A_753 : i32
        %mul3A_755 = arith.constant 4 : i32
        %mul3A_756 = arith.muli %add3A, %mul3A_755 : i32
        %add3A_757 = arith.addi %mul3A_754, %mul3A_756 : i32
        %mul3A_758 = arith.constant 1024 : i32
        %mul3A_759 = arith.muli %add3A_757, %mul3A_758 : i32
        %mul3A_760 = arith.constant 10 : i32
        %mul3A_761 = arith.muli %rem3A_349, %mul3A_760 : i32
        %add3A_762 = arith.constant 7 : i32
        %add3A_763 = arith.addi %mul3A_761, %add3A_762 : i32
        %mul3A_764 = arith.constant 4096 : i32
        %mul3A_765 = arith.muli %add3A_763, %mul3A_764 : i32
        %dma_wait3A_766 = tpu.memref_slice %arg6[%mul3A_765] : memref<81920xf32, #tpu.memory_space<vmem>> -> memref<4096xf32, #tpu.memory_space<vmem>>
        %dma_wait3A_767 = tpu.memref_slice %arg4[%mul3A_759] : memref<32768000xf32, #tpu.memory_space<hbm>> -> memref<4096xf32, #tpu.memory_space<hbm>>
        %dma_wait3A_768 = tpu.memref_slice %arg9[%rem3A_349] : memref<2x!tpu.dma_semaphore, #tpu.memory_space<semaphore_mem>> -> memref<1x!tpu.dma_semaphore, #tpu.memory_space<semaphore_mem>>
        %dma_wait3A_769 = tpu.memref_squeeze %dma_wait3A_768 : memref<1x!tpu.dma_semaphore, #tpu.memory_space<semaphore_mem>> -> memref<!tpu.dma_semaphore, #tpu.memory_space<semaphore_mem>>
        %dma_wait3A_770 = tpu.memref_slice %arg4[%mul3A_759] : memref<32768000xf32, #tpu.memory_space<hbm>> -> memref<4096xf32, #tpu.memory_space<hbm>>
        %dma_wait3A_771 = tpu.memref_slice %arg6[%mul3A_765] : memref<81920xf32, #tpu.memory_space<vmem>> -> memref<4096xf32, #tpu.memory_space<vmem>>
        tpu.wait_dma2 semaphore(%dma_wait3A_769 : memref<!tpu.dma_semaphore, #tpu.memory_space<semaphore_mem>>) src(%dma_wait3A_771 : memref<4096xf32, #tpu.memory_space<vmem>>) dst(%dma_wait3A_770 : memref<4096xf32, #tpu.memory_space<hbm>>)
        %sub3A_772 = arith.constant 2 : i32
        %sub3A_773 = arith.subi %scan3A_348, %sub3A_772 : i32
        %add3A_774 = arith.constant 200 : i32
        %add3A_775 = arith.addi %add3A_774, %sub3A_773 : i32
        %mul3A_776 = arith.constant 128 : i32
        %mul3A_777 = arith.muli %add3A_775, %mul3A_776 : i32
        %mul3A_778 = arith.constant 4 : i32
        %mul3A_779 = arith.muli %add3A, %mul3A_778 : i32
        %add3A_780 = arith.addi %mul3A_777, %mul3A_779 : i32
        %mul3A_781 = arith.constant 1024 : i32
        %mul3A_782 = arith.muli %add3A_780, %mul3A_781 : i32
        %mul3A_783 = arith.constant 10 : i32
        %mul3A_784 = arith.muli %rem3A_349, %mul3A_783 : i32
        %add3A_785 = arith.constant 8 : i32
        %add3A_786 = arith.addi %mul3A_784, %add3A_785 : i32
        %mul3A_787 = arith.constant 4096 : i32
        %mul3A_788 = arith.muli %add3A_786, %mul3A_787 : i32
        %dma_wait3A_789 = tpu.memref_slice %arg6[%mul3A_788] : memref<81920xf32, #tpu.memory_space<vmem>> -> memref<4096xf32, #tpu.memory_space<vmem>>
        %dma_wait3A_790 = tpu.memref_slice %arg4[%mul3A_782] : memref<32768000xf32, #tpu.memory_space<hbm>> -> memref<4096xf32, #tpu.memory_space<hbm>>
        %dma_wait3A_791 = tpu.memref_slice %arg9[%rem3A_349] : memref<2x!tpu.dma_semaphore, #tpu.memory_space<semaphore_mem>> -> memref<1x!tpu.dma_semaphore, #tpu.memory_space<semaphore_mem>>
        %dma_wait3A_792 = tpu.memref_squeeze %dma_wait3A_791 : memref<1x!tpu.dma_semaphore, #tpu.memory_space<semaphore_mem>> -> memref<!tpu.dma_semaphore, #tpu.memory_space<semaphore_mem>>
        %dma_wait3A_793 = tpu.memref_slice %arg4[%mul3A_782] : memref<32768000xf32, #tpu.memory_space<hbm>> -> memref<4096xf32, #tpu.memory_space<hbm>>
        %dma_wait3A_794 = tpu.memref_slice %arg6[%mul3A_788] : memref<81920xf32, #tpu.memory_space<vmem>> -> memref<4096xf32, #tpu.memory_space<vmem>>
        tpu.wait_dma2 semaphore(%dma_wait3A_792 : memref<!tpu.dma_semaphore, #tpu.memory_space<semaphore_mem>>) src(%dma_wait3A_794 : memref<4096xf32, #tpu.memory_space<vmem>>) dst(%dma_wait3A_793 : memref<4096xf32, #tpu.memory_space<hbm>>)
        %sub3A_795 = arith.constant 2 : i32
        %sub3A_796 = arith.subi %scan3A_348, %sub3A_795 : i32
        %add3A_797 = arith.constant 225 : i32
        %add3A_798 = arith.addi %add3A_797, %sub3A_796 : i32
        %mul3A_799 = arith.constant 128 : i32
        %mul3A_800 = arith.muli %add3A_798, %mul3A_799 : i32
        %mul3A_801 = arith.constant 4 : i32
        %mul3A_802 = arith.muli %add3A, %mul3A_801 : i32
        %add3A_803 = arith.addi %mul3A_800, %mul3A_802 : i32
        %mul3A_804 = arith.constant 1024 : i32
        %mul3A_805 = arith.muli %add3A_803, %mul3A_804 : i32
        %mul3A_806 = arith.constant 10 : i32
        %mul3A_807 = arith.muli %rem3A_349, %mul3A_806 : i32
        %add3A_808 = arith.constant 9 : i32
        %add3A_809 = arith.addi %mul3A_807, %add3A_808 : i32
        %mul3A_810 = arith.constant 4096 : i32
        %mul3A_811 = arith.muli %add3A_809, %mul3A_810 : i32
        %dma_wait3A_812 = tpu.memref_slice %arg6[%mul3A_811] : memref<81920xf32, #tpu.memory_space<vmem>> -> memref<4096xf32, #tpu.memory_space<vmem>>
        %dma_wait3A_813 = tpu.memref_slice %arg4[%mul3A_805] : memref<32768000xf32, #tpu.memory_space<hbm>> -> memref<4096xf32, #tpu.memory_space<hbm>>
        %dma_wait3A_814 = tpu.memref_slice %arg9[%rem3A_349] : memref<2x!tpu.dma_semaphore, #tpu.memory_space<semaphore_mem>> -> memref<1x!tpu.dma_semaphore, #tpu.memory_space<semaphore_mem>>
        %dma_wait3A_815 = tpu.memref_squeeze %dma_wait3A_814 : memref<1x!tpu.dma_semaphore, #tpu.memory_space<semaphore_mem>> -> memref<!tpu.dma_semaphore, #tpu.memory_space<semaphore_mem>>
        %dma_wait3A_816 = tpu.memref_slice %arg4[%mul3A_805] : memref<32768000xf32, #tpu.memory_space<hbm>> -> memref<4096xf32, #tpu.memory_space<hbm>>
        %dma_wait3A_817 = tpu.memref_slice %arg6[%mul3A_811] : memref<81920xf32, #tpu.memory_space<vmem>> -> memref<4096xf32, #tpu.memory_space<vmem>>
        tpu.wait_dma2 semaphore(%dma_wait3A_815 : memref<!tpu.dma_semaphore, #tpu.memory_space<semaphore_mem>>) src(%dma_wait3A_817 : memref<4096xf32, #tpu.memory_space<vmem>>) dst(%dma_wait3A_816 : memref<4096xf32, #tpu.memory_space<hbm>>)
      } else {
      }
      %mul3A_373 = arith.constant 10 : i32
      %mul3A_374 = arith.muli %rem3A_349, %mul3A_373 : i32
      %mul3A_375 = arith.constant 4096 : i32
      %mul3A_376 = arith.muli %mul3A_374, %mul3A_375 : i32
      %parallel_loop3A = arith.constant 0 : i32
      %parallel_loop3A_377 = arith.constant 256 : i32
      %parallel_loop3A_378 = arith.constant 1 : i32
      scf.for %parallel_loop3A_589 = %parallel_loop3A to %parallel_loop3A_377 step %parallel_loop3A_378  : i32 {
        %parallel_loop3A_590 = arith.constant 4096 : i32
        %parallel_loop3A_591 = arith.muli %rem3A_349, %parallel_loop3A_590 : i32
        %parallel_loop3A_592 = arith.constant 16 : i32
        %parallel_loop3A_593 = arith.muli %parallel_loop3A_589, %parallel_loop3A_592 : i32
        %parallel_loop3A_594 = arith.addi %parallel_loop3A_591, %parallel_loop3A_593 : i32
        %parallel_loop3A_595 = arith.index_cast %parallel_loop3A_594 : i32 to index
        %parallel_loop3A_596 = tpu.vector_load %arg5[%parallel_loop3A_595] {strides = array<i32>} : memref<8192xi32, #tpu.memory_space<vmem>>, vector<16xi32>,
        %parallel_loop3A_597 = vector.shape_cast %parallel_loop3A_596 : vector<16xi32> to vector<16x1xi32>
        %parallel_loop3A_598 = vector.shape_cast %parallel_loop3A_597 : vector<16x1xi32> to vector<16xi32>
        %parallel_loop3A_599 = tpu.dynamic_gather %add3A_2[%parallel_loop3A_598] in [0] : vector<16xf32>, vector<16xi32> -> vector<16xf32>
        %parallel_loop3A_600 = arith.constant 0 : i32
        %parallel_loop3A_601 = arith.addi %mul3A_376, %parallel_loop3A_600 : i32
        %parallel_loop3A_602 = arith.constant 16 : i32
        %parallel_loop3A_603 = arith.muli %parallel_loop3A_589, %parallel_loop3A_602 : i32
        %parallel_loop3A_604 = arith.addi %parallel_loop3A_601, %parallel_loop3A_603 : i32
        %parallel_loop3A_605 = arith.index_cast %parallel_loop3A_604 : i32 to index
        %parallel_loop3A_606 = tpu.vector_load %arg6[%parallel_loop3A_605] {strides = array<i32>} : memref<81920xf32, #tpu.memory_space<vmem>>, vector<16xf32>,
        tpu.vector_store %arg6[%parallel_loop3A_605], %parallel_loop3A_599 {strides = array<i32>} : memref<81920xf32, #tpu.memory_space<vmem>>, vector<16xf32>,
        %parallel_loop3A_607 = vector.shape_cast %parallel_loop3A_596 : vector<16xi32> to vector<16x1xi32>
        %parallel_loop3A_608 = vector.shape_cast %parallel_loop3A_607 : vector<16x1xi32> to vector<16xi32>
        %parallel_loop3A_609 = tpu.dynamic_gather %add3A_5[%parallel_loop3A_608] in [0] : vector<16xf32>, vector<16xi32> -> vector<16xf32>
        %parallel_loop3A_610 = arith.constant 4096 : i32
        %parallel_loop3A_611 = arith.addi %mul3A_376, %parallel_loop3A_610 : i32
        %parallel_loop3A_612 = arith.constant 16 : i32
        %parallel_loop3A_613 = arith.muli %parallel_loop3A_589, %parallel_loop3A_612 : i32
        %parallel_loop3A_614 = arith.addi %parallel_loop3A_611, %parallel_loop3A_613 : i32
        %parallel_loop3A_615 = arith.index_cast %parallel_loop3A_614 : i32 to index
        %parallel_loop3A_616 = tpu.vector_load %arg6[%parallel_loop3A_615] {strides = array<i32>} : memref<81920xf32, #tpu.memory_space<vmem>>, vector<16xf32>,
        tpu.vector_store %arg6[%parallel_loop3A_615], %parallel_loop3A_609 {strides = array<i32>} : memref<81920xf32, #tpu.memory_space<vmem>>, vector<16xf32>,
        %parallel_loop3A_617 = vector.shape_cast %parallel_loop3A_596 : vector<16xi32> to vector<16x1xi32>
        %parallel_loop3A_618 = vector.shape_cast %parallel_loop3A_617 : vector<16x1xi32> to vector<16xi32>
        %parallel_loop3A_619 = tpu.dynamic_gather %add3A_8[%parallel_loop3A_618] in [0] : vector<16xf32>, vector<16xi32> -> vector<16xf32>
        %parallel_loop3A_620 = arith.constant 8192 : i32
        %parallel_loop3A_621 = arith.addi %mul3A_376, %parallel_loop3A_620 : i32
        %parallel_loop3A_622 = arith.constant 16 : i32
        %parallel_loop3A_623 = arith.muli %parallel_loop3A_589, %parallel_loop3A_622 : i32
        %parallel_loop3A_624 = arith.addi %parallel_loop3A_621, %parallel_loop3A_623 : i32
        %parallel_loop3A_625 = arith.index_cast %parallel_loop3A_624 : i32 to index
        %parallel_loop3A_626 = tpu.vector_load %arg6[%parallel_loop3A_625] {strides = array<i32>} : memref<81920xf32, #tpu.memory_space<vmem>>, vector<16xf32>,
        tpu.vector_store %arg6[%parallel_loop3A_625], %parallel_loop3A_619 {strides = array<i32>} : memref<81920xf32, #tpu.memory_space<vmem>>, vector<16xf32>,
        %parallel_loop3A_627 = vector.shape_cast %parallel_loop3A_596 : vector<16xi32> to vector<16x1xi32>
        %parallel_loop3A_628 = vector.shape_cast %parallel_loop3A_627 : vector<16x1xi32> to vector<16xi32>
        %parallel_loop3A_629 = tpu.dynamic_gather %add3A_11[%parallel_loop3A_628] in [0] : vector<16xf32>, vector<16xi32> -> vector<16xf32>
        %parallel_loop3A_630 = arith.constant 12288 : i32
        %parallel_loop3A_631 = arith.addi %mul3A_376, %parallel_loop3A_630 : i32
        %parallel_loop3A_632 = arith.constant 16 : i32
        %parallel_loop3A_633 = arith.muli %parallel_loop3A_589, %parallel_loop3A_632 : i32
        %parallel_loop3A_634 = arith.addi %parallel_loop3A_631, %parallel_loop3A_633 : i32
        %parallel_loop3A_635 = arith.index_cast %parallel_loop3A_634 : i32 to index
        %parallel_loop3A_636 = tpu.vector_load %arg6[%parallel_loop3A_635] {strides = array<i32>} : memref<81920xf32, #tpu.memory_space<vmem>>, vector<16xf32>,
        tpu.vector_store %arg6[%parallel_loop3A_635], %parallel_loop3A_629 {strides = array<i32>} : memref<81920xf32, #tpu.memory_space<vmem>>, vector<16xf32>,
        %parallel_loop3A_637 = vector.shape_cast %parallel_loop3A_596 : vector<16xi32> to vector<16x1xi32>
        %parallel_loop3A_638 = vector.shape_cast %parallel_loop3A_637 : vector<16x1xi32> to vector<16xi32>
        %parallel_loop3A_639 = tpu.dynamic_gather %add3A_14[%parallel_loop3A_638] in [0] : vector<16xf32>, vector<16xi32> -> vector<16xf32>
        %parallel_loop3A_640 = arith.constant 16384 : i32
        %parallel_loop3A_641 = arith.addi %mul3A_376, %parallel_loop3A_640 : i32
        %parallel_loop3A_642 = arith.constant 16 : i32
        %parallel_loop3A_643 = arith.muli %parallel_loop3A_589, %parallel_loop3A_642 : i32
        %parallel_loop3A_644 = arith.addi %parallel_loop3A_641, %parallel_loop3A_643 : i32
        %parallel_loop3A_645 = arith.index_cast %parallel_loop3A_644 : i32 to index
        %parallel_loop3A_646 = tpu.vector_load %arg6[%parallel_loop3A_645] {strides = array<i32>} : memref<81920xf32, #tpu.memory_space<vmem>>, vector<16xf32>,
        tpu.vector_store %arg6[%parallel_loop3A_645], %parallel_loop3A_639 {strides = array<i32>} : memref<81920xf32, #tpu.memory_space<vmem>>, vector<16xf32>,
        %parallel_loop3A_647 = vector.shape_cast %parallel_loop3A_596 : vector<16xi32> to vector<16x1xi32>
        %parallel_loop3A_648 = vector.shape_cast %parallel_loop3A_647 : vector<16x1xi32> to vector<16xi32>
        %parallel_loop3A_649 = tpu.dynamic_gather %add3A_17[%parallel_loop3A_648] in [0] : vector<16xf32>, vector<16xi32> -> vector<16xf32>
        %parallel_loop3A_650 = arith.constant 20480 : i32
        %parallel_loop3A_651 = arith.addi %mul3A_376, %parallel_loop3A_650 : i32
        %parallel_loop3A_652 = arith.constant 16 : i32
        %parallel_loop3A_653 = arith.muli %parallel_loop3A_589, %parallel_loop3A_652 : i32
        %parallel_loop3A_654 = arith.addi %parallel_loop3A_651, %parallel_loop3A_653 : i32
        %parallel_loop3A_655 = arith.index_cast %parallel_loop3A_654 : i32 to index
        %parallel_loop3A_656 = tpu.vector_load %arg6[%parallel_loop3A_655] {strides = array<i32>} : memref<81920xf32, #tpu.memory_space<vmem>>, vector<16xf32>,
        tpu.vector_store %arg6[%parallel_loop3A_655], %parallel_loop3A_649 {strides = array<i32>} : memref<81920xf32, #tpu.memory_space<vmem>>, vector<16xf32>,
        %parallel_loop3A_657 = vector.shape_cast %parallel_loop3A_596 : vector<16xi32> to vector<16x1xi32>
        %parallel_loop3A_658 = vector.shape_cast %parallel_loop3A_657 : vector<16x1xi32> to vector<16xi32>
        %parallel_loop3A_659 = tpu.dynamic_gather %add3A_20[%parallel_loop3A_658] in [0] : vector<16xf32>, vector<16xi32> -> vector<16xf32>
        %parallel_loop3A_660 = arith.constant 24576 : i32
        %parallel_loop3A_661 = arith.addi %mul3A_376, %parallel_loop3A_660 : i32
        %parallel_loop3A_662 = arith.constant 16 : i32
        %parallel_loop3A_663 = arith.muli %parallel_loop3A_589, %parallel_loop3A_662 : i32
        %parallel_loop3A_664 = arith.addi %parallel_loop3A_661, %parallel_loop3A_663 : i32
        %parallel_loop3A_665 = arith.index_cast %parallel_loop3A_664 : i32 to index
        %parallel_loop3A_666 = tpu.vector_load %arg6[%parallel_loop3A_665] {strides = array<i32>} : memref<81920xf32, #tpu.memory_space<vmem>>, vector<16xf32>,
        tpu.vector_store %arg6[%parallel_loop3A_665], %parallel_loop3A_659 {strides = array<i32>} : memref<81920xf32, #tpu.memory_space<vmem>>, vector<16xf32>,
        %parallel_loop3A_667 = vector.shape_cast %parallel_loop3A_596 : vector<16xi32> to vector<16x1xi32>
        %parallel_loop3A_668 = vector.shape_cast %parallel_loop3A_667 : vector<16x1xi32> to vector<16xi32>
        %parallel_loop3A_669 = tpu.dynamic_gather %add3A_23[%parallel_loop3A_668] in [0] : vector<16xf32>, vector<16xi32> -> vector<16xf32>
        %parallel_loop3A_670 = arith.constant 28672 : i32
        %parallel_loop3A_671 = arith.addi %mul3A_376, %parallel_loop3A_670 : i32
        %parallel_loop3A_672 = arith.constant 16 : i32
        %parallel_loop3A_673 = arith.muli %parallel_loop3A_589, %parallel_loop3A_672 : i32
        %parallel_loop3A_674 = arith.addi %parallel_loop3A_671, %parallel_loop3A_673 : i32
        %parallel_loop3A_675 = arith.index_cast %parallel_loop3A_674 : i32 to index
        %parallel_loop3A_676 = tpu.vector_load %arg6[%parallel_loop3A_675] {strides = array<i32>} : memref<81920xf32, #tpu.memory_space<vmem>>, vector<16xf32>,
        tpu.vector_store %arg6[%parallel_loop3A_675], %parallel_loop3A_669 {strides = array<i32>} : memref<81920xf32, #tpu.memory_space<vmem>>, vector<16xf32>,
        %parallel_loop3A_677 = vector.shape_cast %parallel_loop3A_596 : vector<16xi32> to vector<16x1xi32>
        %parallel_loop3A_678 = vector.shape_cast %parallel_loop3A_677 : vector<16x1xi32> to vector<16xi32>
        %parallel_loop3A_679 = tpu.dynamic_gather %add3A_26[%parallel_loop3A_678] in [0] : vector<16xf32>, vector<16xi32> -> vector<16xf32>
        %parallel_loop3A_680 = arith.constant 32768 : i32
        %parallel_loop3A_681 = arith.addi %mul3A_376, %parallel_loop3A_680 : i32
        %parallel_loop3A_682 = arith.constant 16 : i32
        %parallel_loop3A_683 = arith.muli %parallel_loop3A_589, %parallel_loop3A_682 : i32
        %parallel_loop3A_684 = arith.addi %parallel_loop3A_681, %parallel_loop3A_683 : i32
        %parallel_loop3A_685 = arith.index_cast %parallel_loop3A_684 : i32 to index
        %parallel_loop3A_686 = tpu.vector_load %arg6[%parallel_loop3A_685] {strides = array<i32>} : memref<81920xf32, #tpu.memory_space<vmem>>, vector<16xf32>,
        tpu.vector_store %arg6[%parallel_loop3A_685], %parallel_loop3A_679 {strides = array<i32>} : memref<81920xf32, #tpu.memory_space<vmem>>, vector<16xf32>,
        %parallel_loop3A_687 = vector.shape_cast %parallel_loop3A_596 : vector<16xi32> to vector<16x1xi32>
        %parallel_loop3A_688 = vector.shape_cast %parallel_loop3A_687 : vector<16x1xi32> to vector<16xi32>
        %parallel_loop3A_689 = tpu.dynamic_gather %add3A_29[%parallel_loop3A_688] in [0] : vector<16xf32>, vector<16xi32> -> vector<16xf32>
        %parallel_loop3A_690 = arith.constant 36864 : i32
        %parallel_loop3A_691 = arith.addi %mul3A_376, %parallel_loop3A_690 : i32
        %parallel_loop3A_692 = arith.constant 16 : i32
        %parallel_loop3A_693 = arith.muli %parallel_loop3A_589, %parallel_loop3A_692 : i32
        %parallel_loop3A_694 = arith.addi %parallel_loop3A_691, %parallel_loop3A_693 : i32
        %parallel_loop3A_695 = arith.index_cast %parallel_loop3A_694 : i32 to index
        %parallel_loop3A_696 = tpu.vector_load %arg6[%parallel_loop3A_695] {strides = array<i32>} : memref<81920xf32, #tpu.memory_space<vmem>>, vector<16xf32>,
        tpu.vector_store %arg6[%parallel_loop3A_695], %parallel_loop3A_689 {strides = array<i32>} : memref<81920xf32, #tpu.memory_space<vmem>>, vector<16xf32>,
      } {sc.loop_unroll_factor = 4 : i64, sc.parallel_access}
      %add3A_379 = arith.constant 0 : i32
      %add3A_380 = arith.addi %add3A_379, %scan3A_348 : i32
      %mul3A_381 = arith.constant 128 : i32
      %mul3A_382 = arith.muli %add3A_380, %mul3A_381 : i32
      %mul3A_383 = arith.constant 4 : i32
      %mul3A_384 = arith.muli %add3A, %mul3A_383 : i32
      %add3A_385 = arith.addi %mul3A_382, %mul3A_384 : i32
      %mul3A_386 = arith.constant 1024 : i32
      %mul3A_387 = arith.muli %add3A_385, %mul3A_386 : i32
      %mul3A_388 = arith.constant 10 : i32
      %mul3A_389 = arith.muli %rem3A_349, %mul3A_388 : i32
      %add3A_390 = arith.constant 0 : i32
      %add3A_391 = arith.addi %mul3A_389, %add3A_390 : i32
      %mul3A_392 = arith.constant 4096 : i32
      %mul3A_393 = arith.muli %add3A_391, %mul3A_392 : i32
      %dma_start3A_394 = tpu.memref_slice %arg6[%mul3A_393] : memref<81920xf32, #tpu.memory_space<vmem>> -> memref<4096xf32, #tpu.memory_space<vmem>>
      %dma_start3A_395 = tpu.memref_slice %arg4[%mul3A_387] : memref<32768000xf32, #tpu.memory_space<hbm>> -> memref<4096xf32, #tpu.memory_space<hbm>>
      %dma_start3A_396 = tpu.memref_slice %arg9[%rem3A_349] : memref<2x!tpu.dma_semaphore, #tpu.memory_space<semaphore_mem>> -> memref<1x!tpu.dma_semaphore, #tpu.memory_space<semaphore_mem>>
      %dma_start3A_397 = tpu.memref_squeeze %dma_start3A_396 : memref<1x!tpu.dma_semaphore, #tpu.memory_space<semaphore_mem>> -> memref<!tpu.dma_semaphore, #tpu.memory_space<semaphore_mem>>
      %dma_start3A_398 = tpu.memref_slice %arg4[%mul3A_387] : memref<32768000xf32, #tpu.memory_space<hbm>> -> memref<4096xf32, #tpu.memory_space<hbm>>
      %dma_start3A_399 = tpu.memref_slice %arg6[%mul3A_393] : memref<81920xf32, #tpu.memory_space<vmem>> -> memref<4096xf32, #tpu.memory_space<vmem>>
      tpu.enqueue_dma source(%dma_start3A_399 : memref<4096xf32, #tpu.memory_space<vmem>>) target(%dma_start3A_398 : memref<4096xf32, #tpu.memory_space<hbm>>) target_semaphore(%dma_start3A_397 : memref<!tpu.dma_semaphore, #tpu.memory_space<semaphore_mem>>)
      %add3A_400 = arith.constant 25 : i32
      %add3A_401 = arith.addi %add3A_400, %scan3A_348 : i32
      %mul3A_402 = arith.constant 128 : i32
      %mul3A_403 = arith.muli %add3A_401, %mul3A_402 : i32
      %mul3A_404 = arith.constant 4 : i32
      %mul3A_405 = arith.muli %add3A, %mul3A_404 : i32
      %add3A_406 = arith.addi %mul3A_403, %mul3A_405 : i32
      %mul3A_407 = arith.constant 1024 : i32
      %mul3A_408 = arith.muli %add3A_406, %mul3A_407 : i32
      %mul3A_409 = arith.constant 10 : i32
      %mul3A_410 = arith.muli %rem3A_349, %mul3A_409 : i32
      %add3A_411 = arith.constant 1 : i32
      %add3A_412 = arith.addi %mul3A_410, %add3A_411 : i32
      %mul3A_413 = arith.constant 4096 : i32
      %mul3A_414 = arith.muli %add3A_412, %mul3A_413 : i32
      %dma_start3A_415 = tpu.memref_slice %arg6[%mul3A_414] : memref<81920xf32, #tpu.memory_space<vmem>> -> memref<4096xf32, #tpu.memory_space<vmem>>
      %dma_start3A_416 = tpu.memref_slice %arg4[%mul3A_408] : memref<32768000xf32, #tpu.memory_space<hbm>> -> memref<4096xf32, #tpu.memory_space<hbm>>
      %dma_start3A_417 = tpu.memref_slice %arg9[%rem3A_349] : memref<2x!tpu.dma_semaphore, #tpu.memory_space<semaphore_mem>> -> memref<1x!tpu.dma_semaphore, #tpu.memory_space<semaphore_mem>>
      %dma_start3A_418 = tpu.memref_squeeze %dma_start3A_417 : memref<1x!tpu.dma_semaphore, #tpu.memory_space<semaphore_mem>> -> memref<!tpu.dma_semaphore, #tpu.memory_space<semaphore_mem>>
      %dma_start3A_419 = tpu.memref_slice %arg4[%mul3A_408] : memref<32768000xf32, #tpu.memory_space<hbm>> -> memref<4096xf32, #tpu.memory_space<hbm>>
      %dma_start3A_420 = tpu.memref_slice %arg6[%mul3A_414] : memref<81920xf32, #tpu.memory_space<vmem>> -> memref<4096xf32, #tpu.memory_space<vmem>>
      tpu.enqueue_dma source(%dma_start3A_420 : memref<4096xf32, #tpu.memory_space<vmem>>) target(%dma_start3A_419 : memref<4096xf32, #tpu.memory_space<hbm>>) target_semaphore(%dma_start3A_418 : memref<!tpu.dma_semaphore, #tpu.memory_space<semaphore_mem>>)
      %add3A_421 = arith.constant 50 : i32
      %add3A_422 = arith.addi %add3A_421, %scan3A_348 : i32
      %mul3A_423 = arith.constant 128 : i32
      %mul3A_424 = arith.muli %add3A_422, %mul3A_423 : i32
      %mul3A_425 = arith.constant 4 : i32
      %mul3A_426 = arith.muli %add3A, %mul3A_425 : i32
      %add3A_427 = arith.addi %mul3A_424, %mul3A_426 : i32
      %mul3A_428 = arith.constant 1024 : i32
      %mul3A_429 = arith.muli %add3A_427, %mul3A_428 : i32
      %mul3A_430 = arith.constant 10 : i32
      %mul3A_431 = arith.muli %rem3A_349, %mul3A_430 : i32
      %add3A_432 = arith.constant 2 : i32
      %add3A_433 = arith.addi %mul3A_431, %add3A_432 : i32
      %mul3A_434 = arith.constant 4096 : i32
      %mul3A_435 = arith.muli %add3A_433, %mul3A_434 : i32
      %dma_start3A_436 = tpu.memref_slice %arg6[%mul3A_435] : memref<81920xf32, #tpu.memory_space<vmem>> -> memref<4096xf32, #tpu.memory_space<vmem>>
      %dma_start3A_437 = tpu.memref_slice %arg4[%mul3A_429] : memref<32768000xf32, #tpu.memory_space<hbm>> -> memref<4096xf32, #tpu.memory_space<hbm>>
      %dma_start3A_438 = tpu.memref_slice %arg9[%rem3A_349] : memref<2x!tpu.dma_semaphore, #tpu.memory_space<semaphore_mem>> -> memref<1x!tpu.dma_semaphore, #tpu.memory_space<semaphore_mem>>
      %dma_start3A_439 = tpu.memref_squeeze %dma_start3A_438 : memref<1x!tpu.dma_semaphore, #tpu.memory_space<semaphore_mem>> -> memref<!tpu.dma_semaphore, #tpu.memory_space<semaphore_mem>>
      %dma_start3A_440 = tpu.memref_slice %arg4[%mul3A_429] : memref<32768000xf32, #tpu.memory_space<hbm>> -> memref<4096xf32, #tpu.memory_space<hbm>>
      %dma_start3A_441 = tpu.memref_slice %arg6[%mul3A_435] : memref<81920xf32, #tpu.memory_space<vmem>> -> memref<4096xf32, #tpu.memory_space<vmem>>
      tpu.enqueue_dma source(%dma_start3A_441 : memref<4096xf32, #tpu.memory_space<vmem>>) target(%dma_start3A_440 : memref<4096xf32, #tpu.memory_space<hbm>>) target_semaphore(%dma_start3A_439 : memref<!tpu.dma_semaphore, #tpu.memory_space<semaphore_mem>>)
      %add3A_442 = arith.constant 75 : i32
      %add3A_443 = arith.addi %add3A_442, %scan3A_348 : i32
      %mul3A_444 = arith.constant 128 : i32
      %mul3A_445 = arith.muli %add3A_443, %mul3A_444 : i32
      %mul3A_446 = arith.constant 4 : i32
      %mul3A_447 = arith.muli %add3A, %mul3A_446 : i32
      %add3A_448 = arith.addi %mul3A_445, %mul3A_447 : i32
      %mul3A_449 = arith.constant 1024 : i32
      %mul3A_450 = arith.muli %add3A_448, %mul3A_449 : i32
      %mul3A_451 = arith.constant 10 : i32
      %mul3A_452 = arith.muli %rem3A_349, %mul3A_451 : i32
      %add3A_453 = arith.constant 3 : i32
      %add3A_454 = arith.addi %mul3A_452, %add3A_453 : i32
      %mul3A_455 = arith.constant 4096 : i32
      %mul3A_456 = arith.muli %add3A_454, %mul3A_455 : i32
      %dma_start3A_457 = tpu.memref_slice %arg6[%mul3A_456] : memref<81920xf32, #tpu.memory_space<vmem>> -> memref<4096xf32, #tpu.memory_space<vmem>>
      %dma_start3A_458 = tpu.memref_slice %arg4[%mul3A_450] : memref<32768000xf32, #tpu.memory_space<hbm>> -> memref<4096xf32, #tpu.memory_space<hbm>>
      %dma_start3A_459 = tpu.memref_slice %arg9[%rem3A_349] : memref<2x!tpu.dma_semaphore, #tpu.memory_space<semaphore_mem>> -> memref<1x!tpu.dma_semaphore, #tpu.memory_space<semaphore_mem>>
      %dma_start3A_460 = tpu.memref_squeeze %dma_start3A_459 : memref<1x!tpu.dma_semaphore, #tpu.memory_space<semaphore_mem>> -> memref<!tpu.dma_semaphore, #tpu.memory_space<semaphore_mem>>
      %dma_start3A_461 = tpu.memref_slice %arg4[%mul3A_450] : memref<32768000xf32, #tpu.memory_space<hbm>> -> memref<4096xf32, #tpu.memory_space<hbm>>
      %dma_start3A_462 = tpu.memref_slice %arg6[%mul3A_456] : memref<81920xf32, #tpu.memory_space<vmem>> -> memref<4096xf32, #tpu.memory_space<vmem>>
      tpu.enqueue_dma source(%dma_start3A_462 : memref<4096xf32, #tpu.memory_space<vmem>>) target(%dma_start3A_461 : memref<4096xf32, #tpu.memory_space<hbm>>) target_semaphore(%dma_start3A_460 : memref<!tpu.dma_semaphore, #tpu.memory_space<semaphore_mem>>)
      %add3A_463 = arith.constant 100 : i32
      %add3A_464 = arith.addi %add3A_463, %scan3A_348 : i32
      %mul3A_465 = arith.constant 128 : i32
      %mul3A_466 = arith.muli %add3A_464, %mul3A_465 : i32
      %mul3A_467 = arith.constant 4 : i32
      %mul3A_468 = arith.muli %add3A, %mul3A_467 : i32
      %add3A_469 = arith.addi %mul3A_466, %mul3A_468 : i32
      %mul3A_470 = arith.constant 1024 : i32
      %mul3A_471 = arith.muli %add3A_469, %mul3A_470 : i32
      %mul3A_472 = arith.constant 10 : i32
      %mul3A_473 = arith.muli %rem3A_349, %mul3A_472 : i32
      %add3A_474 = arith.constant 4 : i32
      %add3A_475 = arith.addi %mul3A_473, %add3A_474 : i32
      %mul3A_476 = arith.constant 4096 : i32
      %mul3A_477 = arith.muli %add3A_475, %mul3A_476 : i32
      %dma_start3A_478 = tpu.memref_slice %arg6[%mul3A_477] : memref<81920xf32, #tpu.memory_space<vmem>> -> memref<4096xf32, #tpu.memory_space<vmem>>
      %dma_start3A_479 = tpu.memref_slice %arg4[%mul3A_471] : memref<32768000xf32, #tpu.memory_space<hbm>> -> memref<4096xf32, #tpu.memory_space<hbm>>
      %dma_start3A_480 = tpu.memref_slice %arg9[%rem3A_349] : memref<2x!tpu.dma_semaphore, #tpu.memory_space<semaphore_mem>> -> memref<1x!tpu.dma_semaphore, #tpu.memory_space<semaphore_mem>>
      %dma_start3A_481 = tpu.memref_squeeze %dma_start3A_480 : memref<1x!tpu.dma_semaphore, #tpu.memory_space<semaphore_mem>> -> memref<!tpu.dma_semaphore, #tpu.memory_space<semaphore_mem>>
      %dma_start3A_482 = tpu.memref_slice %arg4[%mul3A_471] : memref<32768000xf32, #tpu.memory_space<hbm>> -> memref<4096xf32, #tpu.memory_space<hbm>>
      %dma_start3A_483 = tpu.memref_slice %arg6[%mul3A_477] : memref<81920xf32, #tpu.memory_space<vmem>> -> memref<4096xf32, #tpu.memory_space<vmem>>
      tpu.enqueue_dma source(%dma_start3A_483 : memref<4096xf32, #tpu.memory_space<vmem>>) target(%dma_start3A_482 : memref<4096xf32, #tpu.memory_space<hbm>>) target_semaphore(%dma_start3A_481 : memref<!tpu.dma_semaphore, #tpu.memory_space<semaphore_mem>>)
      %add3A_484 = arith.constant 125 : i32
      %add3A_485 = arith.addi %add3A_484, %scan3A_348 : i32
      %mul3A_486 = arith.constant 128 : i32
      %mul3A_487 = arith.muli %add3A_485, %mul3A_486 : i32
      %mul3A_488 = arith.constant 4 : i32
      %mul3A_489 = arith.muli %add3A, %mul3A_488 : i32
      %add3A_490 = arith.addi %mul3A_487, %mul3A_489 : i32
      %mul3A_491 = arith.constant 1024 : i32
      %mul3A_492 = arith.muli %add3A_490, %mul3A_491 : i32
      %mul3A_493 = arith.constant 10 : i32
      %mul3A_494 = arith.muli %rem3A_349, %mul3A_493 : i32
      %add3A_495 = arith.constant 5 : i32
      %add3A_496 = arith.addi %mul3A_494, %add3A_495 : i32
      %mul3A_497 = arith.constant 4096 : i32
      %mul3A_498 = arith.muli %add3A_496, %mul3A_497 : i32
      %dma_start3A_499 = tpu.memref_slice %arg6[%mul3A_498] : memref<81920xf32, #tpu.memory_space<vmem>> -> memref<4096xf32, #tpu.memory_space<vmem>>
      %dma_start3A_500 = tpu.memref_slice %arg4[%mul3A_492] : memref<32768000xf32, #tpu.memory_space<hbm>> -> memref<4096xf32, #tpu.memory_space<hbm>>
      %dma_start3A_501 = tpu.memref_slice %arg9[%rem3A_349] : memref<2x!tpu.dma_semaphore, #tpu.memory_space<semaphore_mem>> -> memref<1x!tpu.dma_semaphore, #tpu.memory_space<semaphore_mem>>
      %dma_start3A_502 = tpu.memref_squeeze %dma_start3A_501 : memref<1x!tpu.dma_semaphore, #tpu.memory_space<semaphore_mem>> -> memref<!tpu.dma_semaphore, #tpu.memory_space<semaphore_mem>>
      %dma_start3A_503 = tpu.memref_slice %arg4[%mul3A_492] : memref<32768000xf32, #tpu.memory_space<hbm>> -> memref<4096xf32, #tpu.memory_space<hbm>>
      %dma_start3A_504 = tpu.memref_slice %arg6[%mul3A_498] : memref<81920xf32, #tpu.memory_space<vmem>> -> memref<4096xf32, #tpu.memory_space<vmem>>
      tpu.enqueue_dma source(%dma_start3A_504 : memref<4096xf32, #tpu.memory_space<vmem>>) target(%dma_start3A_503 : memref<4096xf32, #tpu.memory_space<hbm>>) target_semaphore(%dma_start3A_502 : memref<!tpu.dma_semaphore, #tpu.memory_space<semaphore_mem>>)
      %add3A_505 = arith.constant 150 : i32
      %add3A_506 = arith.addi %add3A_505, %scan3A_348 : i32
      %mul3A_507 = arith.constant 128 : i32
      %mul3A_508 = arith.muli %add3A_506, %mul3A_507 : i32
      %mul3A_509 = arith.constant 4 : i32
      %mul3A_510 = arith.muli %add3A, %mul3A_509 : i32
      %add3A_511 = arith.addi %mul3A_508, %mul3A_510 : i32
      %mul3A_512 = arith.constant 1024 : i32
      %mul3A_513 = arith.muli %add3A_511, %mul3A_512 : i32
      %mul3A_514 = arith.constant 10 : i32
      %mul3A_515 = arith.muli %rem3A_349, %mul3A_514 : i32
      %add3A_516 = arith.constant 6 : i32
      %add3A_517 = arith.addi %mul3A_515, %add3A_516 : i32
      %mul3A_518 = arith.constant 4096 : i32
      %mul3A_519 = arith.muli %add3A_517, %mul3A_518 : i32
      %dma_start3A_520 = tpu.memref_slice %arg6[%mul3A_519] : memref<81920xf32, #tpu.memory_space<vmem>> -> memref<4096xf32, #tpu.memory_space<vmem>>
      %dma_start3A_521 = tpu.memref_slice %arg4[%mul3A_513] : memref<32768000xf32, #tpu.memory_space<hbm>> -> memref<4096xf32, #tpu.memory_space<hbm>>
      %dma_start3A_522 = tpu.memref_slice %arg9[%rem3A_349] : memref<2x!tpu.dma_semaphore, #tpu.memory_space<semaphore_mem>> -> memref<1x!tpu.dma_semaphore, #tpu.memory_space<semaphore_mem>>
      %dma_start3A_523 = tpu.memref_squeeze %dma_start3A_522 : memref<1x!tpu.dma_semaphore, #tpu.memory_space<semaphore_mem>> -> memref<!tpu.dma_semaphore, #tpu.memory_space<semaphore_mem>>
      %dma_start3A_524 = tpu.memref_slice %arg4[%mul3A_513] : memref<32768000xf32, #tpu.memory_space<hbm>> -> memref<4096xf32, #tpu.memory_space<hbm>>
      %dma_start3A_525 = tpu.memref_slice %arg6[%mul3A_519] : memref<81920xf32, #tpu.memory_space<vmem>> -> memref<4096xf32, #tpu.memory_space<vmem>>
      tpu.enqueue_dma source(%dma_start3A_525 : memref<4096xf32, #tpu.memory_space<vmem>>) target(%dma_start3A_524 : memref<4096xf32, #tpu.memory_space<hbm>>) target_semaphore(%dma_start3A_523 : memref<!tpu.dma_semaphore, #tpu.memory_space<semaphore_mem>>)
      %add3A_526 = arith.constant 175 : i32
      %add3A_527 = arith.addi %add3A_526, %scan3A_348 : i32
      %mul3A_528 = arith.constant 128 : i32
      %mul3A_529 = arith.muli %add3A_527, %mul3A_528 : i32
      %mul3A_530 = arith.constant 4 : i32
      %mul3A_531 = arith.muli %add3A, %mul3A_530 : i32
      %add3A_532 = arith.addi %mul3A_529, %mul3A_531 : i32
      %mul3A_533 = arith.constant 1024 : i32
      %mul3A_534 = arith.muli %add3A_532, %mul3A_533 : i32
      %mul3A_535 = arith.constant 10 : i32
      %mul3A_536 = arith.muli %rem3A_349, %mul3A_535 : i32
      %add3A_537 = arith.constant 7 : i32
      %add3A_538 = arith.addi %mul3A_536, %add3A_537 : i32
      %mul3A_539 = arith.constant 4096 : i32
      %mul3A_540 = arith.muli %add3A_538, %mul3A_539 : i32
      %dma_start3A_541 = tpu.memref_slice %arg6[%mul3A_540] : memref<81920xf32, #tpu.memory_space<vmem>> -> memref<4096xf32, #tpu.memory_space<vmem>>
      %dma_start3A_542 = tpu.memref_slice %arg4[%mul3A_534] : memref<32768000xf32, #tpu.memory_space<hbm>> -> memref<4096xf32, #tpu.memory_space<hbm>>
      %dma_start3A_543 = tpu.memref_slice %arg9[%rem3A_349] : memref<2x!tpu.dma_semaphore, #tpu.memory_space<semaphore_mem>> -> memref<1x!tpu.dma_semaphore, #tpu.memory_space<semaphore_mem>>
      %dma_start3A_544 = tpu.memref_squeeze %dma_start3A_543 : memref<1x!tpu.dma_semaphore, #tpu.memory_space<semaphore_mem>> -> memref<!tpu.dma_semaphore, #tpu.memory_space<semaphore_mem>>
      %dma_start3A_545 = tpu.memref_slice %arg4[%mul3A_534] : memref<32768000xf32, #tpu.memory_space<hbm>> -> memref<4096xf32, #tpu.memory_space<hbm>>
      %dma_start3A_546 = tpu.memref_slice %arg6[%mul3A_540] : memref<81920xf32, #tpu.memory_space<vmem>> -> memref<4096xf32, #tpu.memory_space<vmem>>
      tpu.enqueue_dma source(%dma_start3A_546 : memref<4096xf32, #tpu.memory_space<vmem>>) target(%dma_start3A_545 : memref<4096xf32, #tpu.memory_space<hbm>>) target_semaphore(%dma_start3A_544 : memref<!tpu.dma_semaphore, #tpu.memory_space<semaphore_mem>>)
      %add3A_547 = arith.constant 200 : i32
      %add3A_548 = arith.addi %add3A_547, %scan3A_348 : i32
      %mul3A_549 = arith.constant 128 : i32
      %mul3A_550 = arith.muli %add3A_548, %mul3A_549 : i32
      %mul3A_551 = arith.constant 4 : i32
      %mul3A_552 = arith.muli %add3A, %mul3A_551 : i32
      %add3A_553 = arith.addi %mul3A_550, %mul3A_552 : i32
      %mul3A_554 = arith.constant 1024 : i32
      %mul3A_555 = arith.muli %add3A_553, %mul3A_554 : i32
      %mul3A_556 = arith.constant 10 : i32
      %mul3A_557 = arith.muli %rem3A_349, %mul3A_556 : i32
      %add3A_558 = arith.constant 8 : i32
      %add3A_559 = arith.addi %mul3A_557, %add3A_558 : i32
      %mul3A_560 = arith.constant 4096 : i32
      %mul3A_561 = arith.muli %add3A_559, %mul3A_560 : i32
      %dma_start3A_562 = tpu.memref_slice %arg6[%mul3A_561] : memref<81920xf32, #tpu.memory_space<vmem>> -> memref<4096xf32, #tpu.memory_space<vmem>>
      %dma_start3A_563 = tpu.memref_slice %arg4[%mul3A_555] : memref<32768000xf32, #tpu.memory_space<hbm>> -> memref<4096xf32, #tpu.memory_space<hbm>>
      %dma_start3A_564 = tpu.memref_slice %arg9[%rem3A_349] : memref<2x!tpu.dma_semaphore, #tpu.memory_space<semaphore_mem>> -> memref<1x!tpu.dma_semaphore, #tpu.memory_space<semaphore_mem>>
      %dma_start3A_565 = tpu.memref_squeeze %dma_start3A_564 : memref<1x!tpu.dma_semaphore, #tpu.memory_space<semaphore_mem>> -> memref<!tpu.dma_semaphore, #tpu.memory_space<semaphore_mem>>
      %dma_start3A_566 = tpu.memref_slice %arg4[%mul3A_555] : memref<32768000xf32, #tpu.memory_space<hbm>> -> memref<4096xf32, #tpu.memory_space<hbm>>
      %dma_start3A_567 = tpu.memref_slice %arg6[%mul3A_561] : memref<81920xf32, #tpu.memory_space<vmem>> -> memref<4096xf32, #tpu.memory_space<vmem>>
      tpu.enqueue_dma source(%dma_start3A_567 : memref<4096xf32, #tpu.memory_space<vmem>>) target(%dma_start3A_566 : memref<4096xf32, #tpu.memory_space<hbm>>) target_semaphore(%dma_start3A_565 : memref<!tpu.dma_semaphore, #tpu.memory_space<semaphore_mem>>)
      %add3A_568 = arith.constant 225 : i32
      %add3A_569 = arith.addi %add3A_568, %scan3A_348 : i32
      %mul3A_570 = arith.constant 128 : i32
      %mul3A_571 = arith.muli %add3A_569, %mul3A_570 : i32
      %mul3A_572 = arith.constant 4 : i32
      %mul3A_573 = arith.muli %add3A, %mul3A_572 : i32
      %add3A_574 = arith.addi %mul3A_571, %mul3A_573 : i32
      %mul3A_575 = arith.constant 1024 : i32
      %mul3A_576 = arith.muli %add3A_574, %mul3A_575 : i32
      %mul3A_577 = arith.constant 10 : i32
      %mul3A_578 = arith.muli %rem3A_349, %mul3A_577 : i32
      %add3A_579 = arith.constant 9 : i32
      %add3A_580 = arith.addi %mul3A_578, %add3A_579 : i32
      %mul3A_581 = arith.constant 4096 : i32
      %mul3A_582 = arith.muli %add3A_580, %mul3A_581 : i32
      %dma_start3A_583 = tpu.memref_slice %arg6[%mul3A_582] : memref<81920xf32, #tpu.memory_space<vmem>> -> memref<4096xf32, #tpu.memory_space<vmem>>
      %dma_start3A_584 = tpu.memref_slice %arg4[%mul3A_576] : memref<32768000xf32, #tpu.memory_space<hbm>> -> memref<4096xf32, #tpu.memory_space<hbm>>
      %dma_start3A_585 = tpu.memref_slice %arg9[%rem3A_349] : memref<2x!tpu.dma_semaphore, #tpu.memory_space<semaphore_mem>> -> memref<1x!tpu.dma_semaphore, #tpu.memory_space<semaphore_mem>>
      %dma_start3A_586 = tpu.memref_squeeze %dma_start3A_585 : memref<1x!tpu.dma_semaphore, #tpu.memory_space<semaphore_mem>> -> memref<!tpu.dma_semaphore, #tpu.memory_space<semaphore_mem>>
      %dma_start3A_587 = tpu.memref_slice %arg4[%mul3A_576] : memref<32768000xf32, #tpu.memory_space<hbm>> -> memref<4096xf32, #tpu.memory_space<hbm>>
      %dma_start3A_588 = tpu.memref_slice %arg6[%mul3A_582] : memref<81920xf32, #tpu.memory_space<vmem>> -> memref<4096xf32, #tpu.memory_space<vmem>>
      tpu.enqueue_dma source(%dma_start3A_588 : memref<4096xf32, #tpu.memory_space<vmem>>) target(%dma_start3A_587 : memref<4096xf32, #tpu.memory_space<hbm>>) target_semaphore(%dma_start3A_586 : memref<!tpu.dma_semaphore, #tpu.memory_space<semaphore_mem>>)
    }
    %scan3A_48 = arith.constant 25 : i32
    %mul3A_49 = arith.constant 4 : i32
    %mul3A_50 = arith.muli %add3A, %mul3A_49 : i32
    %add3A_51 = arith.constant 2944 : i32
    %add3A_52 = arith.addi %add3A_51, %mul3A_50 : i32
    %mul3A_53 = arith.constant 1024 : i32
    %mul3A_54 = arith.muli %add3A_52, %mul3A_53 : i32
    %dma_wait3A = arith.constant 1 : i32
    %dma_wait3A_55 = arith.constant 40960 : i32
    %dma_wait3A_56 = tpu.memref_slice %arg6[%dma_wait3A_55] : memref<81920xf32, #tpu.memory_space<vmem>> -> memref<4096xf32, #tpu.memory_space<vmem>>
    %dma_wait3A_57 = tpu.memref_slice %arg4[%mul3A_54] : memref<32768000xf32, #tpu.memory_space<hbm>> -> memref<4096xf32, #tpu.memory_space<hbm>>
    %dma_wait3A_58 = tpu.memref_slice %arg9[%dma_wait3A] : memref<2x!tpu.dma_semaphore, #tpu.memory_space<semaphore_mem>> -> memref<1x!tpu.dma_semaphore, #tpu.memory_space<semaphore_mem>>
    %dma_wait3A_59 = tpu.memref_squeeze %dma_wait3A_58 : memref<1x!tpu.dma_semaphore, #tpu.memory_space<semaphore_mem>> -> memref<!tpu.dma_semaphore, #tpu.memory_space<semaphore_mem>>
    %dma_wait3A_60 = tpu.memref_slice %arg4[%mul3A_54] : memref<32768000xf32, #tpu.memory_space<hbm>> -> memref<4096xf32, #tpu.memory_space<hbm>>
    %dma_wait3A_61 = arith.constant 40960 : i32
    %dma_wait3A_62 = tpu.memref_slice %arg6[%dma_wait3A_61] : memref<81920xf32, #tpu.memory_space<vmem>> -> memref<4096xf32, #tpu.memory_space<vmem>>
    tpu.wait_dma2 semaphore(%dma_wait3A_59 : memref<!tpu.dma_semaphore, #tpu.memory_space<semaphore_mem>>) src(%dma_wait3A_62 : memref<4096xf32, #tpu.memory_space<vmem>>) dst(%dma_wait3A_60 : memref<4096xf32, #tpu.memory_space<hbm>>)
    %mul3A_63 = arith.constant 4 : i32
    %mul3A_64 = arith.muli %add3A, %mul3A_63 : i32
    %add3A_65 = arith.constant 3072 : i32
    %add3A_66 = arith.addi %add3A_65, %mul3A_64 : i32
    %mul3A_67 = arith.constant 1024 : i32
    %mul3A_68 = arith.muli %add3A_66, %mul3A_67 : i32
    %dma_wait3A_69 = arith.constant 0 : i32
    %dma_wait3A_70 = arith.constant 0 : i32
    %dma_wait3A_71 = tpu.memref_slice %arg6[%dma_wait3A_70] : memref<81920xf32, #tpu.memory_space<vmem>> -> memref<4096xf32, #tpu.memory_space<vmem>>
    %dma_wait3A_72 = tpu.memref_slice %arg4[%mul3A_68] : memref<32768000xf32, #tpu.memory_space<hbm>> -> memref<4096xf32, #tpu.memory_space<hbm>>
    %dma_wait3A_73 = tpu.memref_slice %arg9[%dma_wait3A_69] : memref<2x!tpu.dma_semaphore, #tpu.memory_space<semaphore_mem>> -> memref<1x!tpu.dma_semaphore, #tpu.memory_space<semaphore_mem>>
    %dma_wait3A_74 = tpu.memref_squeeze %dma_wait3A_73 : memref<1x!tpu.dma_semaphore, #tpu.memory_space<semaphore_mem>> -> memref<!tpu.dma_semaphore, #tpu.memory_space<semaphore_mem>>
    %dma_wait3A_75 = tpu.memref_slice %arg4[%mul3A_68] : memref<32768000xf32, #tpu.memory_space<hbm>> -> memref<4096xf32, #tpu.memory_space<hbm>>
    %dma_wait3A_76 = arith.constant 0 : i32
    %dma_wait3A_77 = tpu.memref_slice %arg6[%dma_wait3A_76] : memref<81920xf32, #tpu.memory_space<vmem>> -> memref<4096xf32, #tpu.memory_space<vmem>>
    tpu.wait_dma2 semaphore(%dma_wait3A_74 : memref<!tpu.dma_semaphore, #tpu.memory_space<semaphore_mem>>) src(%dma_wait3A_77 : memref<4096xf32, #tpu.memory_space<vmem>>) dst(%dma_wait3A_75 : memref<4096xf32, #tpu.memory_space<hbm>>)
    %mul3A_78 = arith.constant 4 : i32
    %mul3A_79 = arith.muli %add3A, %mul3A_78 : i32
    %add3A_80 = arith.constant 6144 : i32
    %add3A_81 = arith.addi %add3A_80, %mul3A_79 : i32
    %mul3A_82 = arith.constant 1024 : i32
    %mul3A_83 = arith.muli %add3A_81, %mul3A_82 : i32
    %dma_wait3A_84 = arith.constant 1 : i32
    %dma_wait3A_85 = arith.constant 45056 : i32
    %dma_wait3A_86 = tpu.memref_slice %arg6[%dma_wait3A_85] : memref<81920xf32, #tpu.memory_space<vmem>> -> memref<4096xf32, #tpu.memory_space<vmem>>
    %dma_wait3A_87 = tpu.memref_slice %arg4[%mul3A_83] : memref<32768000xf32, #tpu.memory_space<hbm>> -> memref<4096xf32, #tpu.memory_space<hbm>>
    %dma_wait3A_88 = tpu.memref_slice %arg9[%dma_wait3A_84] : memref<2x!tpu.dma_semaphore, #tpu.memory_space<semaphore_mem>> -> memref<1x!tpu.dma_semaphore, #tpu.memory_space<semaphore_mem>>
    %dma_wait3A_89 = tpu.memref_squeeze %dma_wait3A_88 : memref<1x!tpu.dma_semaphore, #tpu.memory_space<semaphore_mem>> -> memref<!tpu.dma_semaphore, #tpu.memory_space<semaphore_mem>>
    %dma_wait3A_90 = tpu.memref_slice %arg4[%mul3A_83] : memref<32768000xf32, #tpu.memory_space<hbm>> -> memref<4096xf32, #tpu.memory_space<hbm>>
    %dma_wait3A_91 = arith.constant 45056 : i32
    %dma_wait3A_92 = tpu.memref_slice %arg6[%dma_wait3A_91] : memref<81920xf32, #tpu.memory_space<vmem>> -> memref<4096xf32, #tpu.memory_space<vmem>>
    tpu.wait_dma2 semaphore(%dma_wait3A_89 : memref<!tpu.dma_semaphore, #tpu.memory_space<semaphore_mem>>) src(%dma_wait3A_92 : memref<4096xf32, #tpu.memory_space<vmem>>) dst(%dma_wait3A_90 : memref<4096xf32, #tpu.memory_space<hbm>>)
    %mul3A_93 = arith.constant 4 : i32
    %mul3A_94 = arith.muli %add3A, %mul3A_93 : i32
    %add3A_95 = arith.constant 6272 : i32
    %add3A_96 = arith.addi %add3A_95, %mul3A_94 : i32
    %mul3A_97 = arith.constant 1024 : i32
    %mul3A_98 = arith.muli %add3A_96, %mul3A_97 : i32
    %dma_wait3A_99 = arith.constant 0 : i32
    %dma_wait3A_100 = arith.constant 4096 : i32
    %dma_wait3A_101 = tpu.memref_slice %arg6[%dma_wait3A_100] : memref<81920xf32, #tpu.memory_space<vmem>> -> memref<4096xf32, #tpu.memory_space<vmem>>
    %dma_wait3A_102 = tpu.memref_slice %arg4[%mul3A_98] : memref<32768000xf32, #tpu.memory_space<hbm>> -> memref<4096xf32, #tpu.memory_space<hbm>>
    %dma_wait3A_103 = tpu.memref_slice %arg9[%dma_wait3A_99] : memref<2x!tpu.dma_semaphore, #tpu.memory_space<semaphore_mem>> -> memref<1x!tpu.dma_semaphore, #tpu.memory_space<semaphore_mem>>
    %dma_wait3A_104 = tpu.memref_squeeze %dma_wait3A_103 : memref<1x!tpu.dma_semaphore, #tpu.memory_space<semaphore_mem>> -> memref<!tpu.dma_semaphore, #tpu.memory_space<semaphore_mem>>
    %dma_wait3A_105 = tpu.memref_slice %arg4[%mul3A_98] : memref<32768000xf32, #tpu.memory_space<hbm>> -> memref<4096xf32, #tpu.memory_space<hbm>>
    %dma_wait3A_106 = arith.constant 4096 : i32
    %dma_wait3A_107 = tpu.memref_slice %arg6[%dma_wait3A_106] : memref<81920xf32, #tpu.memory_space<vmem>> -> memref<4096xf32, #tpu.memory_space<vmem>>
    tpu.wait_dma2 semaphore(%dma_wait3A_104 : memref<!tpu.dma_semaphore, #tpu.memory_space<semaphore_mem>>) src(%dma_wait3A_107 : memref<4096xf32, #tpu.memory_space<vmem>>) dst(%dma_wait3A_105 : memref<4096xf32, #tpu.memory_space<hbm>>)
    %mul3A_108 = arith.constant 4 : i32
    %mul3A_109 = arith.muli %add3A, %mul3A_108 : i32
    %add3A_110 = arith.constant 9344 : i32
    %add3A_111 = arith.addi %add3A_110, %mul3A_109 : i32
    %mul3A_112 = arith.constant 1024 : i32
    %mul3A_113 = arith.muli %add3A_111, %mul3A_112 : i32
    %dma_wait3A_114 = arith.constant 1 : i32
    %dma_wait3A_115 = arith.constant 49152 : i32
    %dma_wait3A_116 = tpu.memref_slice %arg6[%dma_wait3A_115] : memref<81920xf32, #tpu.memory_space<vmem>> -> memref<4096xf32, #tpu.memory_space<vmem>>
    %dma_wait3A_117 = tpu.memref_slice %arg4[%mul3A_113] : memref<32768000xf32, #tpu.memory_space<hbm>> -> memref<4096xf32, #tpu.memory_space<hbm>>
    %dma_wait3A_118 = tpu.memref_slice %arg9[%dma_wait3A_114] : memref<2x!tpu.dma_semaphore, #tpu.memory_space<semaphore_mem>> -> memref<1x!tpu.dma_semaphore, #tpu.memory_space<semaphore_mem>>
    %dma_wait3A_119 = tpu.memref_squeeze %dma_wait3A_118 : memref<1x!tpu.dma_semaphore, #tpu.memory_space<semaphore_mem>> -> memref<!tpu.dma_semaphore, #tpu.memory_space<semaphore_mem>>
    %dma_wait3A_120 = tpu.memref_slice %arg4[%mul3A_113] : memref<32768000xf32, #tpu.memory_space<hbm>> -> memref<4096xf32, #tpu.memory_space<hbm>>
    %dma_wait3A_121 = arith.constant 49152 : i32
    %dma_wait3A_122 = tpu.memref_slice %arg6[%dma_wait3A_121] : memref<81920xf32, #tpu.memory_space<vmem>> -> memref<4096xf32, #tpu.memory_space<vmem>>
    tpu.wait_dma2 semaphore(%dma_wait3A_119 : memref<!tpu.dma_semaphore, #tpu.memory_space<semaphore_mem>>) src(%dma_wait3A_122 : memref<4096xf32, #tpu.memory_space<vmem>>) dst(%dma_wait3A_120 : memref<4096xf32, #tpu.memory_space<hbm>>)
    %mul3A_123 = arith.constant 4 : i32
    %mul3A_124 = arith.muli %add3A, %mul3A_123 : i32
    %add3A_125 = arith.constant 9472 : i32
    %add3A_126 = arith.addi %add3A_125, %mul3A_124 : i32
    %mul3A_127 = arith.constant 1024 : i32
    %mul3A_128 = arith.muli %add3A_126, %mul3A_127 : i32
    %dma_wait3A_129 = arith.constant 0 : i32
    %dma_wait3A_130 = arith.constant 8192 : i32
    %dma_wait3A_131 = tpu.memref_slice %arg6[%dma_wait3A_130] : memref<81920xf32, #tpu.memory_space<vmem>> -> memref<4096xf32, #tpu.memory_space<vmem>>
    %dma_wait3A_132 = tpu.memref_slice %arg4[%mul3A_128] : memref<32768000xf32, #tpu.memory_space<hbm>> -> memref<4096xf32, #tpu.memory_space<hbm>>
    %dma_wait3A_133 = tpu.memref_slice %arg9[%dma_wait3A_129] : memref<2x!tpu.dma_semaphore, #tpu.memory_space<semaphore_mem>> -> memref<1x!tpu.dma_semaphore, #tpu.memory_space<semaphore_mem>>
    %dma_wait3A_134 = tpu.memref_squeeze %dma_wait3A_133 : memref<1x!tpu.dma_semaphore, #tpu.memory_space<semaphore_mem>> -> memref<!tpu.dma_semaphore, #tpu.memory_space<semaphore_mem>>
    %dma_wait3A_135 = tpu.memref_slice %arg4[%mul3A_128] : memref<32768000xf32, #tpu.memory_space<hbm>> -> memref<4096xf32, #tpu.memory_space<hbm>>
    %dma_wait3A_136 = arith.constant 8192 : i32
    %dma_wait3A_137 = tpu.memref_slice %arg6[%dma_wait3A_136] : memref<81920xf32, #tpu.memory_space<vmem>> -> memref<4096xf32, #tpu.memory_space<vmem>>
    tpu.wait_dma2 semaphore(%dma_wait3A_134 : memref<!tpu.dma_semaphore, #tpu.memory_space<semaphore_mem>>) src(%dma_wait3A_137 : memref<4096xf32, #tpu.memory_space<vmem>>) dst(%dma_wait3A_135 : memref<4096xf32, #tpu.memory_space<hbm>>)
    %mul3A_138 = arith.constant 4 : i32
    %mul3A_139 = arith.muli %add3A, %mul3A_138 : i32
    %add3A_140 = arith.constant 12544 : i32
    %add3A_141 = arith.addi %add3A_140, %mul3A_139 : i32
    %mul3A_142 = arith.constant 1024 : i32
    %mul3A_143 = arith.muli %add3A_141, %mul3A_142 : i32
    %dma_wait3A_144 = arith.constant 1 : i32
    %dma_wait3A_145 = arith.constant 53248 : i32
    %dma_wait3A_146 = tpu.memref_slice %arg6[%dma_wait3A_145] : memref<81920xf32, #tpu.memory_space<vmem>> -> memref<4096xf32, #tpu.memory_space<vmem>>
    %dma_wait3A_147 = tpu.memref_slice %arg4[%mul3A_143] : memref<32768000xf32, #tpu.memory_space<hbm>> -> memref<4096xf32, #tpu.memory_space<hbm>>
    %dma_wait3A_148 = tpu.memref_slice %arg9[%dma_wait3A_144] : memref<2x!tpu.dma_semaphore, #tpu.memory_space<semaphore_mem>> -> memref<1x!tpu.dma_semaphore, #tpu.memory_space<semaphore_mem>>
    %dma_wait3A_149 = tpu.memref_squeeze %dma_wait3A_148 : memref<1x!tpu.dma_semaphore, #tpu.memory_space<semaphore_mem>> -> memref<!tpu.dma_semaphore, #tpu.memory_space<semaphore_mem>>
    %dma_wait3A_150 = tpu.memref_slice %arg4[%mul3A_143] : memref<32768000xf32, #tpu.memory_space<hbm>> -> memref<4096xf32, #tpu.memory_space<hbm>>
    %dma_wait3A_151 = arith.constant 53248 : i32
    %dma_wait3A_152 = tpu.memref_slice %arg6[%dma_wait3A_151] : memref<81920xf32, #tpu.memory_space<vmem>> -> memref<4096xf32, #tpu.memory_space<vmem>>
    tpu.wait_dma2 semaphore(%dma_wait3A_149 : memref<!tpu.dma_semaphore, #tpu.memory_space<semaphore_mem>>) src(%dma_wait3A_152 : memref<4096xf32, #tpu.memory_space<vmem>>) dst(%dma_wait3A_150 : memref<4096xf32, #tpu.memory_space<hbm>>)
    %mul3A_153 = arith.constant 4 : i32
    %mul3A_154 = arith.muli %add3A, %mul3A_153 : i32
    %add3A_155 = arith.constant 12672 : i32
    %add3A_156 = arith.addi %add3A_155, %mul3A_154 : i32
    %mul3A_157 = arith.constant 1024 : i32
    %mul3A_158 = arith.muli %add3A_156, %mul3A_157 : i32
    %dma_wait3A_159 = arith.constant 0 : i32
    %dma_wait3A_160 = arith.constant 12288 : i32
    %dma_wait3A_161 = tpu.memref_slice %arg6[%dma_wait3A_160] : memref<81920xf32, #tpu.memory_space<vmem>> -> memref<4096xf32, #tpu.memory_space<vmem>>
    %dma_wait3A_162 = tpu.memref_slice %arg4[%mul3A_158] : memref<32768000xf32, #tpu.memory_space<hbm>> -> memref<4096xf32, #tpu.memory_space<hbm>>
    %dma_wait3A_163 = tpu.memref_slice %arg9[%dma_wait3A_159] : memref<2x!tpu.dma_semaphore, #tpu.memory_space<semaphore_mem>> -> memref<1x!tpu.dma_semaphore, #tpu.memory_space<semaphore_mem>>
    %dma_wait3A_164 = tpu.memref_squeeze %dma_wait3A_163 : memref<1x!tpu.dma_semaphore, #tpu.memory_space<semaphore_mem>> -> memref<!tpu.dma_semaphore, #tpu.memory_space<semaphore_mem>>
    %dma_wait3A_165 = tpu.memref_slice %arg4[%mul3A_158] : memref<32768000xf32, #tpu.memory_space<hbm>> -> memref<4096xf32, #tpu.memory_space<hbm>>
    %dma_wait3A_166 = arith.constant 12288 : i32
    %dma_wait3A_167 = tpu.memref_slice %arg6[%dma_wait3A_166] : memref<81920xf32, #tpu.memory_space<vmem>> -> memref<4096xf32, #tpu.memory_space<vmem>>
    tpu.wait_dma2 semaphore(%dma_wait3A_164 : memref<!tpu.dma_semaphore, #tpu.memory_space<semaphore_mem>>) src(%dma_wait3A_167 : memref<4096xf32, #tpu.memory_space<vmem>>) dst(%dma_wait3A_165 : memref<4096xf32, #tpu.memory_space<hbm>>)
    %mul3A_168 = arith.constant 4 : i32
    %mul3A_169 = arith.muli %add3A, %mul3A_168 : i32
    %add3A_170 = arith.constant 15744 : i32
    %add3A_171 = arith.addi %add3A_170, %mul3A_169 : i32
    %mul3A_172 = arith.constant 1024 : i32
    %mul3A_173 = arith.muli %add3A_171, %mul3A_172 : i32
    %dma_wait3A_174 = arith.constant 1 : i32
    %dma_wait3A_175 = arith.constant 57344 : i32
    %dma_wait3A_176 = tpu.memref_slice %arg6[%dma_wait3A_175] : memref<81920xf32, #tpu.memory_space<vmem>> -> memref<4096xf32, #tpu.memory_space<vmem>>
    %dma_wait3A_177 = tpu.memref_slice %arg4[%mul3A_173] : memref<32768000xf32, #tpu.memory_space<hbm>> -> memref<4096xf32, #tpu.memory_space<hbm>>
    %dma_wait3A_178 = tpu.memref_slice %arg9[%dma_wait3A_174] : memref<2x!tpu.dma_semaphore, #tpu.memory_space<semaphore_mem>> -> memref<1x!tpu.dma_semaphore, #tpu.memory_space<semaphore_mem>>
    %dma_wait3A_179 = tpu.memref_squeeze %dma_wait3A_178 : memref<1x!tpu.dma_semaphore, #tpu.memory_space<semaphore_mem>> -> memref<!tpu.dma_semaphore, #tpu.memory_space<semaphore_mem>>
    %dma_wait3A_180 = tpu.memref_slice %arg4[%mul3A_173] : memref<32768000xf32, #tpu.memory_space<hbm>> -> memref<4096xf32, #tpu.memory_space<hbm>>
    %dma_wait3A_181 = arith.constant 57344 : i32
    %dma_wait3A_182 = tpu.memref_slice %arg6[%dma_wait3A_181] : memref<81920xf32, #tpu.memory_space<vmem>> -> memref<4096xf32, #tpu.memory_space<vmem>>
    tpu.wait_dma2 semaphore(%dma_wait3A_179 : memref<!tpu.dma_semaphore, #tpu.memory_space<semaphore_mem>>) src(%dma_wait3A_182 : memref<4096xf32, #tpu.memory_space<vmem>>) dst(%dma_wait3A_180 : memref<4096xf32, #tpu.memory_space<hbm>>)
    %mul3A_183 = arith.constant 4 : i32
    %mul3A_184 = arith.muli %add3A, %mul3A_183 : i32
    %add3A_185 = arith.constant 15872 : i32
    %add3A_186 = arith.addi %add3A_185, %mul3A_184 : i32
    %mul3A_187 = arith.constant 1024 : i32
    %mul3A_188 = arith.muli %add3A_186, %mul3A_187 : i32
    %dma_wait3A_189 = arith.constant 0 : i32
    %dma_wait3A_190 = arith.constant 16384 : i32
    %dma_wait3A_191 = tpu.memref_slice %arg6[%dma_wait3A_190] : memref<81920xf32, #tpu.memory_space<vmem>> -> memref<4096xf32, #tpu.memory_space<vmem>>
    %dma_wait3A_192 = tpu.memref_slice %arg4[%mul3A_188] : memref<32768000xf32, #tpu.memory_space<hbm>> -> memref<4096xf32, #tpu.memory_space<hbm>>
    %dma_wait3A_193 = tpu.memref_slice %arg9[%dma_wait3A_189] : memref<2x!tpu.dma_semaphore, #tpu.memory_space<semaphore_mem>> -> memref<1x!tpu.dma_semaphore, #tpu.memory_space<semaphore_mem>>
    %dma_wait3A_194 = tpu.memref_squeeze %dma_wait3A_193 : memref<1x!tpu.dma_semaphore, #tpu.memory_space<semaphore_mem>> -> memref<!tpu.dma_semaphore, #tpu.memory_space<semaphore_mem>>
    %dma_wait3A_195 = tpu.memref_slice %arg4[%mul3A_188] : memref<32768000xf32, #tpu.memory_space<hbm>> -> memref<4096xf32, #tpu.memory_space<hbm>>
    %dma_wait3A_196 = arith.constant 16384 : i32
    %dma_wait3A_197 = tpu.memref_slice %arg6[%dma_wait3A_196] : memref<81920xf32, #tpu.memory_space<vmem>> -> memref<4096xf32, #tpu.memory_space<vmem>>
    tpu.wait_dma2 semaphore(%dma_wait3A_194 : memref<!tpu.dma_semaphore, #tpu.memory_space<semaphore_mem>>) src(%dma_wait3A_197 : memref<4096xf32, #tpu.memory_space<vmem>>) dst(%dma_wait3A_195 : memref<4096xf32, #tpu.memory_space<hbm>>)
    %mul3A_198 = arith.constant 4 : i32
    %mul3A_199 = arith.muli %add3A, %mul3A_198 : i32
    %add3A_200 = arith.constant 18944 : i32
    %add3A_201 = arith.addi %add3A_200, %mul3A_199 : i32
    %mul3A_202 = arith.constant 1024 : i32
    %mul3A_203 = arith.muli %add3A_201, %mul3A_202 : i32
    %dma_wait3A_204 = arith.constant 1 : i32
    %dma_wait3A_205 = arith.constant 61440 : i32
    %dma_wait3A_206 = tpu.memref_slice %arg6[%dma_wait3A_205] : memref<81920xf32, #tpu.memory_space<vmem>> -> memref<4096xf32, #tpu.memory_space<vmem>>
    %dma_wait3A_207 = tpu.memref_slice %arg4[%mul3A_203] : memref<32768000xf32, #tpu.memory_space<hbm>> -> memref<4096xf32, #tpu.memory_space<hbm>>
    %dma_wait3A_208 = tpu.memref_slice %arg9[%dma_wait3A_204] : memref<2x!tpu.dma_semaphore, #tpu.memory_space<semaphore_mem>> -> memref<1x!tpu.dma_semaphore, #tpu.memory_space<semaphore_mem>>
    %dma_wait3A_209 = tpu.memref_squeeze %dma_wait3A_208 : memref<1x!tpu.dma_semaphore, #tpu.memory_space<semaphore_mem>> -> memref<!tpu.dma_semaphore, #tpu.memory_space<semaphore_mem>>
    %dma_wait3A_210 = tpu.memref_slice %arg4[%mul3A_203] : memref<32768000xf32, #tpu.memory_space<hbm>> -> memref<4096xf32, #tpu.memory_space<hbm>>
    %dma_wait3A_211 = arith.constant 61440 : i32
    %dma_wait3A_212 = tpu.memref_slice %arg6[%dma_wait3A_211] : memref<81920xf32, #tpu.memory_space<vmem>> -> memref<4096xf32, #tpu.memory_space<vmem>>
    tpu.wait_dma2 semaphore(%dma_wait3A_209 : memref<!tpu.dma_semaphore, #tpu.memory_space<semaphore_mem>>) src(%dma_wait3A_212 : memref<4096xf32, #tpu.memory_space<vmem>>) dst(%dma_wait3A_210 : memref<4096xf32, #tpu.memory_space<hbm>>)
    %mul3A_213 = arith.constant 4 : i32
    %mul3A_214 = arith.muli %add3A, %mul3A_213 : i32
    %add3A_215 = arith.constant 19072 : i32
    %add3A_216 = arith.addi %add3A_215, %mul3A_214 : i32
    %mul3A_217 = arith.constant 1024 : i32
    %mul3A_218 = arith.muli %add3A_216, %mul3A_217 : i32
    %dma_wait3A_219 = arith.constant 0 : i32
    %dma_wait3A_220 = arith.constant 20480 : i32
    %dma_wait3A_221 = tpu.memref_slice %arg6[%dma_wait3A_220] : memref<81920xf32, #tpu.memory_space<vmem>> -> memref<4096xf32, #tpu.memory_space<vmem>>
    %dma_wait3A_222 = tpu.memref_slice %arg4[%mul3A_218] : memref<32768000xf32, #tpu.memory_space<hbm>> -> memref<4096xf32, #tpu.memory_space<hbm>>
    %dma_wait3A_223 = tpu.memref_slice %arg9[%dma_wait3A_219] : memref<2x!tpu.dma_semaphore, #tpu.memory_space<semaphore_mem>> -> memref<1x!tpu.dma_semaphore, #tpu.memory_space<semaphore_mem>>
    %dma_wait3A_224 = tpu.memref_squeeze %dma_wait3A_223 : memref<1x!tpu.dma_semaphore, #tpu.memory_space<semaphore_mem>> -> memref<!tpu.dma_semaphore, #tpu.memory_space<semaphore_mem>>
    %dma_wait3A_225 = tpu.memref_slice %arg4[%mul3A_218] : memref<32768000xf32, #tpu.memory_space<hbm>> -> memref<4096xf32, #tpu.memory_space<hbm>>
    %dma_wait3A_226 = arith.constant 20480 : i32
    %dma_wait3A_227 = tpu.memref_slice %arg6[%dma_wait3A_226] : memref<81920xf32, #tpu.memory_space<vmem>> -> memref<4096xf32, #tpu.memory_space<vmem>>
    tpu.wait_dma2 semaphore(%dma_wait3A_224 : memref<!tpu.dma_semaphore, #tpu.memory_space<semaphore_mem>>) src(%dma_wait3A_227 : memref<4096xf32, #tpu.memory_space<vmem>>) dst(%dma_wait3A_225 : memref<4096xf32, #tpu.memory_space<hbm>>)
    %mul3A_228 = arith.constant 4 : i32
    %mul3A_229 = arith.muli %add3A, %mul3A_228 : i32
    %add3A_230 = arith.constant 22144 : i32
    %add3A_231 = arith.addi %add3A_230, %mul3A_229 : i32
    %mul3A_232 = arith.constant 1024 : i32
    %mul3A_233 = arith.muli %add3A_231, %mul3A_232 : i32
    %dma_wait3A_234 = arith.constant 1 : i32
    %dma_wait3A_235 = arith.constant 65536 : i32
    %dma_wait3A_236 = tpu.memref_slice %arg6[%dma_wait3A_235] : memref<81920xf32, #tpu.memory_space<vmem>> -> memref<4096xf32, #tpu.memory_space<vmem>>
    %dma_wait3A_237 = tpu.memref_slice %arg4[%mul3A_233] : memref<32768000xf32, #tpu.memory_space<hbm>> -> memref<4096xf32, #tpu.memory_space<hbm>>
    %dma_wait3A_238 = tpu.memref_slice %arg9[%dma_wait3A_234] : memref<2x!tpu.dma_semaphore, #tpu.memory_space<semaphore_mem>> -> memref<1x!tpu.dma_semaphore, #tpu.memory_space<semaphore_mem>>
    %dma_wait3A_239 = tpu.memref_squeeze %dma_wait3A_238 : memref<1x!tpu.dma_semaphore, #tpu.memory_space<semaphore_mem>> -> memref<!tpu.dma_semaphore, #tpu.memory_space<semaphore_mem>>
    %dma_wait3A_240 = tpu.memref_slice %arg4[%mul3A_233] : memref<32768000xf32, #tpu.memory_space<hbm>> -> memref<4096xf32, #tpu.memory_space<hbm>>
    %dma_wait3A_241 = arith.constant 65536 : i32
    %dma_wait3A_242 = tpu.memref_slice %arg6[%dma_wait3A_241] : memref<81920xf32, #tpu.memory_space<vmem>> -> memref<4096xf32, #tpu.memory_space<vmem>>
    tpu.wait_dma2 semaphore(%dma_wait3A_239 : memref<!tpu.dma_semaphore, #tpu.memory_space<semaphore_mem>>) src(%dma_wait3A_242 : memref<4096xf32, #tpu.memory_space<vmem>>) dst(%dma_wait3A_240 : memref<4096xf32, #tpu.memory_space<hbm>>)
    %mul3A_243 = arith.constant 4 : i32
    %mul3A_244 = arith.muli %add3A, %mul3A_243 : i32
    %add3A_245 = arith.constant 22272 : i32
    %add3A_246 = arith.addi %add3A_245, %mul3A_244 : i32
    %mul3A_247 = arith.constant 1024 : i32
    %mul3A_248 = arith.muli %add3A_246, %mul3A_247 : i32
    %dma_wait3A_249 = arith.constant 0 : i32
    %dma_wait3A_250 = arith.constant 24576 : i32
    %dma_wait3A_251 = tpu.memref_slice %arg6[%dma_wait3A_250] : memref<81920xf32, #tpu.memory_space<vmem>> -> memref<4096xf32, #tpu.memory_space<vmem>>
    %dma_wait3A_252 = tpu.memref_slice %arg4[%mul3A_248] : memref<32768000xf32, #tpu.memory_space<hbm>> -> memref<4096xf32, #tpu.memory_space<hbm>>
    %dma_wait3A_253 = tpu.memref_slice %arg9[%dma_wait3A_249] : memref<2x!tpu.dma_semaphore, #tpu.memory_space<semaphore_mem>> -> memref<1x!tpu.dma_semaphore, #tpu.memory_space<semaphore_mem>>
    %dma_wait3A_254 = tpu.memref_squeeze %dma_wait3A_253 : memref<1x!tpu.dma_semaphore, #tpu.memory_space<semaphore_mem>> -> memref<!tpu.dma_semaphore, #tpu.memory_space<semaphore_mem>>
    %dma_wait3A_255 = tpu.memref_slice %arg4[%mul3A_248] : memref<32768000xf32, #tpu.memory_space<hbm>> -> memref<4096xf32, #tpu.memory_space<hbm>>
    %dma_wait3A_256 = arith.constant 24576 : i32
    %dma_wait3A_257 = tpu.memref_slice %arg6[%dma_wait3A_256] : memref<81920xf32, #tpu.memory_space<vmem>> -> memref<4096xf32, #tpu.memory_space<vmem>>
    tpu.wait_dma2 semaphore(%dma_wait3A_254 : memref<!tpu.dma_semaphore, #tpu.memory_space<semaphore_mem>>) src(%dma_wait3A_257 : memref<4096xf32, #tpu.memory_space<vmem>>) dst(%dma_wait3A_255 : memref<4096xf32, #tpu.memory_space<hbm>>)
    %mul3A_258 = arith.constant 4 : i32
    %mul3A_259 = arith.muli %add3A, %mul3A_258 : i32
    %add3A_260 = arith.constant 25344 : i32
    %add3A_261 = arith.addi %add3A_260, %mul3A_259 : i32
    %mul3A_262 = arith.constant 1024 : i32
    %mul3A_263 = arith.muli %add3A_261, %mul3A_262 : i32
    %dma_wait3A_264 = arith.constant 1 : i32
    %dma_wait3A_265 = arith.constant 69632 : i32
    %dma_wait3A_266 = tpu.memref_slice %arg6[%dma_wait3A_265] : memref<81920xf32, #tpu.memory_space<vmem>> -> memref<4096xf32, #tpu.memory_space<vmem>>
    %dma_wait3A_267 = tpu.memref_slice %arg4[%mul3A_263] : memref<32768000xf32, #tpu.memory_space<hbm>> -> memref<4096xf32, #tpu.memory_space<hbm>>
    %dma_wait3A_268 = tpu.memref_slice %arg9[%dma_wait3A_264] : memref<2x!tpu.dma_semaphore, #tpu.memory_space<semaphore_mem>> -> memref<1x!tpu.dma_semaphore, #tpu.memory_space<semaphore_mem>>
    %dma_wait3A_269 = tpu.memref_squeeze %dma_wait3A_268 : memref<1x!tpu.dma_semaphore, #tpu.memory_space<semaphore_mem>> -> memref<!tpu.dma_semaphore, #tpu.memory_space<semaphore_mem>>
    %dma_wait3A_270 = tpu.memref_slice %arg4[%mul3A_263] : memref<32768000xf32, #tpu.memory_space<hbm>> -> memref<4096xf32, #tpu.memory_space<hbm>>
    %dma_wait3A_271 = arith.constant 69632 : i32
    %dma_wait3A_272 = tpu.memref_slice %arg6[%dma_wait3A_271] : memref<81920xf32, #tpu.memory_space<vmem>> -> memref<4096xf32, #tpu.memory_space<vmem>>
    tpu.wait_dma2 semaphore(%dma_wait3A_269 : memref<!tpu.dma_semaphore, #tpu.memory_space<semaphore_mem>>) src(%dma_wait3A_272 : memref<4096xf32, #tpu.memory_space<vmem>>) dst(%dma_wait3A_270 : memref<4096xf32, #tpu.memory_space<hbm>>)
    %mul3A_273 = arith.constant 4 : i32
    %mul3A_274 = arith.muli %add3A, %mul3A_273 : i32
    %add3A_275 = arith.constant 25472 : i32
    %add3A_276 = arith.addi %add3A_275, %mul3A_274 : i32
    %mul3A_277 = arith.constant 1024 : i32
    %mul3A_278 = arith.muli %add3A_276, %mul3A_277 : i32
    %dma_wait3A_279 = arith.constant 0 : i32
    %dma_wait3A_280 = arith.constant 28672 : i32
    %dma_wait3A_281 = tpu.memref_slice %arg6[%dma_wait3A_280] : memref<81920xf32, #tpu.memory_space<vmem>> -> memref<4096xf32, #tpu.memory_space<vmem>>
    %dma_wait3A_282 = tpu.memref_slice %arg4[%mul3A_278] : memref<32768000xf32, #tpu.memory_space<hbm>> -> memref<4096xf32, #tpu.memory_space<hbm>>
    %dma_wait3A_283 = tpu.memref_slice %arg9[%dma_wait3A_279] : memref<2x!tpu.dma_semaphore, #tpu.memory_space<semaphore_mem>> -> memref<1x!tpu.dma_semaphore, #tpu.memory_space<semaphore_mem>>
    %dma_wait3A_284 = tpu.memref_squeeze %dma_wait3A_283 : memref<1x!tpu.dma_semaphore, #tpu.memory_space<semaphore_mem>> -> memref<!tpu.dma_semaphore, #tpu.memory_space<semaphore_mem>>
    %dma_wait3A_285 = tpu.memref_slice %arg4[%mul3A_278] : memref<32768000xf32, #tpu.memory_space<hbm>> -> memref<4096xf32, #tpu.memory_space<hbm>>
    %dma_wait3A_286 = arith.constant 28672 : i32
    %dma_wait3A_287 = tpu.memref_slice %arg6[%dma_wait3A_286] : memref<81920xf32, #tpu.memory_space<vmem>> -> memref<4096xf32, #tpu.memory_space<vmem>>
    tpu.wait_dma2 semaphore(%dma_wait3A_284 : memref<!tpu.dma_semaphore, #tpu.memory_space<semaphore_mem>>) src(%dma_wait3A_287 : memref<4096xf32, #tpu.memory_space<vmem>>) dst(%dma_wait3A_285 : memref<4096xf32, #tpu.memory_space<hbm>>)
    %mul3A_288 = arith.constant 4 : i32
    %mul3A_289 = arith.muli %add3A, %mul3A_288 : i32
    %add3A_290 = arith.constant 28544 : i32
    %add3A_291 = arith.addi %add3A_290, %mul3A_289 : i32
    %mul3A_292 = arith.constant 1024 : i32
    %mul3A_293 = arith.muli %add3A_291, %mul3A_292 : i32
    %dma_wait3A_294 = arith.constant 1 : i32
    %dma_wait3A_295 = arith.constant 73728 : i32
    %dma_wait3A_296 = tpu.memref_slice %arg6[%dma_wait3A_295] : memref<81920xf32, #tpu.memory_space<vmem>> -> memref<4096xf32, #tpu.memory_space<vmem>>
    %dma_wait3A_297 = tpu.memref_slice %arg4[%mul3A_293] : memref<32768000xf32, #tpu.memory_space<hbm>> -> memref<4096xf32, #tpu.memory_space<hbm>>
    %dma_wait3A_298 = tpu.memref_slice %arg9[%dma_wait3A_294] : memref<2x!tpu.dma_semaphore, #tpu.memory_space<semaphore_mem>> -> memref<1x!tpu.dma_semaphore, #tpu.memory_space<semaphore_mem>>
    %dma_wait3A_299 = tpu.memref_squeeze %dma_wait3A_298 : memref<1x!tpu.dma_semaphore, #tpu.memory_space<semaphore_mem>> -> memref<!tpu.dma_semaphore, #tpu.memory_space<semaphore_mem>>
    %dma_wait3A_300 = tpu.memref_slice %arg4[%mul3A_293] : memref<32768000xf32, #tpu.memory_space<hbm>> -> memref<4096xf32, #tpu.memory_space<hbm>>
    %dma_wait3A_301 = arith.constant 73728 : i32
    %dma_wait3A_302 = tpu.memref_slice %arg6[%dma_wait3A_301] : memref<81920xf32, #tpu.memory_space<vmem>> -> memref<4096xf32, #tpu.memory_space<vmem>>
    tpu.wait_dma2 semaphore(%dma_wait3A_299 : memref<!tpu.dma_semaphore, #tpu.memory_space<semaphore_mem>>) src(%dma_wait3A_302 : memref<4096xf32, #tpu.memory_space<vmem>>) dst(%dma_wait3A_300 : memref<4096xf32, #tpu.memory_space<hbm>>)
    %mul3A_303 = arith.constant 4 : i32
    %mul3A_304 = arith.muli %add3A, %mul3A_303 : i32
    %add3A_305 = arith.constant 28672 : i32
    %add3A_306 = arith.addi %add3A_305, %mul3A_304 : i32
    %mul3A_307 = arith.constant 1024 : i32
    %mul3A_308 = arith.muli %add3A_306, %mul3A_307 : i32
    %dma_wait3A_309 = arith.constant 0 : i32
    %dma_wait3A_310 = arith.constant 32768 : i32
    %dma_wait3A_311 = tpu.memref_slice %arg6[%dma_wait3A_310] : memref<81920xf32, #tpu.memory_space<vmem>> -> memref<4096xf32, #tpu.memory_space<vmem>>
    %dma_wait3A_312 = tpu.memref_slice %arg4[%mul3A_308] : memref<32768000xf32, #tpu.memory_space<hbm>> -> memref<4096xf32, #tpu.memory_space<hbm>>
    %dma_wait3A_313 = tpu.memref_slice %arg9[%dma_wait3A_309] : memref<2x!tpu.dma_semaphore, #tpu.memory_space<semaphore_mem>> -> memref<1x!tpu.dma_semaphore, #tpu.memory_space<semaphore_mem>>
    %dma_wait3A_314 = tpu.memref_squeeze %dma_wait3A_313 : memref<1x!tpu.dma_semaphore, #tpu.memory_space<semaphore_mem>> -> memref<!tpu.dma_semaphore, #tpu.memory_space<semaphore_mem>>
    %dma_wait3A_315 = tpu.memref_slice %arg4[%mul3A_308] : memref<32768000xf32, #tpu.memory_space<hbm>> -> memref<4096xf32, #tpu.memory_space<hbm>>
    %dma_wait3A_316 = arith.constant 32768 : i32
    %dma_wait3A_317 = tpu.memref_slice %arg6[%dma_wait3A_316] : memref<81920xf32, #tpu.memory_space<vmem>> -> memref<4096xf32, #tpu.memory_space<vmem>>
    tpu.wait_dma2 semaphore(%dma_wait3A_314 : memref<!tpu.dma_semaphore, #tpu.memory_space<semaphore_mem>>) src(%dma_wait3A_317 : memref<4096xf32, #tpu.memory_space<vmem>>) dst(%dma_wait3A_315 : memref<4096xf32, #tpu.memory_space<hbm>>)
    %mul3A_318 = arith.constant 4 : i32
    %mul3A_319 = arith.muli %add3A, %mul3A_318 : i32
    %add3A_320 = arith.constant 31744 : i32
    %add3A_321 = arith.addi %add3A_320, %mul3A_319 : i32
    %mul3A_322 = arith.constant 1024 : i32
    %mul3A_323 = arith.muli %add3A_321, %mul3A_322 : i32
    %dma_wait3A_324 = arith.constant 1 : i32
    %dma_wait3A_325 = arith.constant 77824 : i32
    %dma_wait3A_326 = tpu.memref_slice %arg6[%dma_wait3A_325] : memref<81920xf32, #tpu.memory_space<vmem>> -> memref<4096xf32, #tpu.memory_space<vmem>>
    %dma_wait3A_327 = tpu.memref_slice %arg4[%mul3A_323] : memref<32768000xf32, #tpu.memory_space<hbm>> -> memref<4096xf32, #tpu.memory_space<hbm>>
    %dma_wait3A_328 = tpu.memref_slice %arg9[%dma_wait3A_324] : memref<2x!tpu.dma_semaphore, #tpu.memory_space<semaphore_mem>> -> memref<1x!tpu.dma_semaphore, #tpu.memory_space<semaphore_mem>>
    %dma_wait3A_329 = tpu.memref_squeeze %dma_wait3A_328 : memref<1x!tpu.dma_semaphore, #tpu.memory_space<semaphore_mem>> -> memref<!tpu.dma_semaphore, #tpu.memory_space<semaphore_mem>>
    %dma_wait3A_330 = tpu.memref_slice %arg4[%mul3A_323] : memref<32768000xf32, #tpu.memory_space<hbm>> -> memref<4096xf32, #tpu.memory_space<hbm>>
    %dma_wait3A_331 = arith.constant 77824 : i32
    %dma_wait3A_332 = tpu.memref_slice %arg6[%dma_wait3A_331] : memref<81920xf32, #tpu.memory_space<vmem>> -> memref<4096xf32, #tpu.memory_space<vmem>>
    tpu.wait_dma2 semaphore(%dma_wait3A_329 : memref<!tpu.dma_semaphore, #tpu.memory_space<semaphore_mem>>) src(%dma_wait3A_332 : memref<4096xf32, #tpu.memory_space<vmem>>) dst(%dma_wait3A_330 : memref<4096xf32, #tpu.memory_space<hbm>>)
    %mul3A_333 = arith.constant 4 : i32
    %mul3A_334 = arith.muli %add3A, %mul3A_333 : i32
    %add3A_335 = arith.constant 31872 : i32
    %add3A_336 = arith.addi %add3A_335, %mul3A_334 : i32
    %mul3A_337 = arith.constant 1024 : i32
    %mul3A_338 = arith.muli %add3A_336, %mul3A_337 : i32
    %dma_wait3A_339 = arith.constant 0 : i32
    %dma_wait3A_340 = arith.constant 36864 : i32
    %dma_wait3A_341 = tpu.memref_slice %arg6[%dma_wait3A_340] : memref<81920xf32, #tpu.memory_space<vmem>> -> memref<4096xf32, #tpu.memory_space<vmem>>
    %dma_wait3A_342 = tpu.memref_slice %arg4[%mul3A_338] : memref<32768000xf32, #tpu.memory_space<hbm>> -> memref<4096xf32, #tpu.memory_space<hbm>>
    %dma_wait3A_343 = tpu.memref_slice %arg9[%dma_wait3A_339] : memref<2x!tpu.dma_semaphore, #tpu.memory_space<semaphore_mem>> -> memref<1x!tpu.dma_semaphore, #tpu.memory_space<semaphore_mem>>
    %dma_wait3A_344 = tpu.memref_squeeze %dma_wait3A_343 : memref<1x!tpu.dma_semaphore, #tpu.memory_space<semaphore_mem>> -> memref<!tpu.dma_semaphore, #tpu.memory_space<semaphore_mem>>
    %dma_wait3A_345 = tpu.memref_slice %arg4[%mul3A_338] : memref<32768000xf32, #tpu.memory_space<hbm>> -> memref<4096xf32, #tpu.memory_space<hbm>>
    %dma_wait3A_346 = arith.constant 36864 : i32
    %dma_wait3A_347 = tpu.memref_slice %arg6[%dma_wait3A_346] : memref<81920xf32, #tpu.memory_space<vmem>> -> memref<4096xf32, #tpu.memory_space<vmem>>
    tpu.wait_dma2 semaphore(%dma_wait3A_344 : memref<!tpu.dma_semaphore, #tpu.memory_space<semaphore_mem>>) src(%dma_wait3A_347 : memref<4096xf32, #tpu.memory_space<vmem>>) dst(%dma_wait3A_345 : memref<4096xf32, #tpu.memory_space<hbm>>)
    return
  }
}

</mosaic_0001>

<sc_bundles>
// kernel: kernel.3.cloned.1.call-start
scs
__scs_entry_jumppad:
0x0: {  	(pc) =	sbr.rel $0x88, $3  }
0x1: {  	(tag) =	ssettag $0x0;
	lr =	simm.s32 $0x1  }
0x2: {  	[smem:$0x3F9F] =	sst lr;
	_ =	strace $0xD0000000  }
0x3: {  	_ = 	snop  }
0x4: {  	_ = 	snop  }
0x5: {  	_ = 	snop  }
0x6: {  	_ = 	snop  }
0x7: {  	_ = 	snop  }
__scs_overlays_trampoline_lowered:
0x8: {  	[smem:$0x3FAE] =	sst s0  }
0x9: {  	[smem:$0x3FAF] =	sst s1  }
0xa: {  	[smem:$0x3FB0] =	sst s2  }
0xb: {  	[smem:$0x3FB1] =	sst s3  }
0xc: {  	[smem:$0x3FB2] =	sst s4  }
0xd: {  	[smem:$0x3FB3] =	sst s5  }
0xe: {  	[smem:$0x3FB4] =	sst s6  }
0xf: {  	[smem:$0x3FB5] =	sst s7  }
0x10: {  	[smem:$0x3FB6] =	sst s8  }
0x11: {  	[smem:$0x3FB7] =	sst s9;
	s0 =	simm.s32 @!p0 $0x0  }
0x12: {  	s1 =	sld [smem:$0x3F9D];
	s0 =	simm.s32 @p0 $0x1  }
0x13: {  	[smem:$0x3FB8] =	sst s0;
	s0 =	simm.s32 @!p1 $0x0  }
0x14: {  	s2 =	sld [smem:$0x3F9C];
	s0 =	simm.s32 @p1 $0x1  }
0x15: {  	[smem:$0x3FB9] =	sst s0;
	s0 =	simm.s32 @!p2 $0x0  }
0x16: {  	s3 =	sld [smem:$0x3FDB];
	s0 =	simm.s32 @p2 $0x1  }
0x17: {  	s4 =	simm.s32 $0x1BF5;
	[smem:$0x3FBB] =	sst s0  }
0x18: {  	s0 =	sld [smem:$0x3F9E];
	_ =	swait.ge [sflag:s4], $0x0  }
0x19: {  	s7 =	sld [smem:$0x3F9F]  }
0x1a: {  	s8 =	sadd.s32 $0xFFFFE003, lr  }
0x1b: {  	s9 =	sadd.s32 $0xFFFFFEF7, lr;
	s5 =	simm.s32 $0xFFFFFFFF;
	p2 =	slt.u32 s8, $0xFFFFF086  }
0x1c: {  	p1 =	slt.u32 s9, $0xF7A;
	s5 =	simm.s32 @!p2 $0x0  }
0x1d: {  	s5 =	simm.s32 @p1 $0x1;
	p0 =	seq.s32 s7, s2  }
0x1e: {  	s7 =	smul.u32 @!p0 $0xF7A, s2;
	p2 =	seq.s32 @!p0 s5, $0x0  }
0x1f: {  	s9 =	smul.u32 $0xF7A, s1;
	s8 =	simm.s32 @!p0 $0x1BF5;
	p2 =	por !p2, p0  }
0x20: {  	[sflag:s8] =	ssyncset.s32 @!p0 $0xFFFFF086;
	s6 =	sadd.s32 @!p0 s3, s7;
	s7 =	simm.s32 @!p0 $0x108  }
0x21: {  	s3 =	sadd.s32 s3, s9;
	s6 =	sadd.s32 @!p0 $0x88, s6;
	s7 =	simm.s32 @p2 $0x1082  }
0x22: {  	[simem:s7], [sflag:s8] =	dma.local @!p0 [hbm:s6], $0xF7A  }
0x23: {  	s9 =	sor.u32 $0xD0000000, s2;
	s6 =	simm.s32 $0x108;
	_ =	swait.ge @!p0 [sflag:s8], $0x0  }
0x24: {  	s3 =	sadd.s32 $0x88, s3;
	s6 =	simm.s32 @!p1 $0x1082;
	[sflag:s4] =	ssyncset.s32 $0xFFFFF086  }
0x25: {  	[simem:s6], [sflag:s4] =	dma.local [hbm:s3], $0xF7A  }
0x26: {  	[smem:$0x3F9F] =	sst s1;
	(tag) =	ssettag s2;
	_ =	strace s9  }
0x27: {  	s1 =	sld [smem:$0x3FAF]  }
0x28: {  	s2 =	sld [smem:$0x3FB0]  }
0x29: {  	s4 =	sld [smem:$0x3FB2]  }
0x2a: {  	p0 =	seq.s32 s5, $0x0;
	s5 =	sld [smem:$0x3FB3]  }
0x2b: {  	s6 =	sld [smem:$0x3FB4]  }
0x2c: {  	s7 =	sld [smem:$0x3FB5]  }
0x2d: {  	s3 =	simm.s32 $0x108;
	s8 =	sld [smem:$0x3FB6]  }
0x2e: {  	s3 =	simm.s32 @!p0 $0x1082;
	s9 =	sld [smem:$0x3FB7]  }
0x2f: {  	lr =	sadd.s32 s0, s3;
	s0 =	sld [smem:$0x3FAE]  }
0x30: {  	s3 =	sld [smem:$0x3FB1]  }
0x31: {  	[smem:$0x3FBA] =	sst s10  }
0x32: {  	s10 =	sld [smem:$0x3FB8];
	_ =	sdelay $0x3  }
0x33: {  	p0 =	seq.s32 s10, $0x1;
	s10 =	sld [smem:$0x3FBA];
	_ =	sdelay $0x3  }
0x34: {  	[smem:$0x3FBA] =	sst s10  }
0x35: {  	s10 =	sld [smem:$0x3FB9];
	_ =	sdelay $0x3  }
0x36: {  	p1 =	seq.s32 s10, $0x1;
	s10 =	sld [smem:$0x3FBA];
	_ =	sdelay $0x3  }
0x37: {  	[smem:$0x3FBA] =	sst s10  }
0x38: {  	s10 =	sld [smem:$0x3FBB]  }
0x39: {  	_ = 	snop;
	(pc) =	sbr.ind lr, $3  }
0x3a: {  	_ = 	snop  }
0x3b: {  	_ = 	snop  }
0x3c: {  	p2 =	seq.s32 s10, $0x1;
	s10 =	sld [smem:$0x3FBA]  }
0x3d: {  	_ =	shalt  }
0x3e: {  	_ =	shalt  }
0x3f: {  	_ =	shalt  }
0x40: {  	_ =	shalt  }
0x41: {  	_ =	shalt  }
0x42: {  	_ =	shalt  }
0x43: {  	_ =	shalt  }
0x44: {  	_ =	shalt  }
0x45: {  	_ =	shalt  }
0x46: {  	_ =	shalt  }
0x47: {  	_ =	shalt  }
0x48: {  	_ =	shalt  }
0x49: {  	_ =	shalt  }
0x4a: {  	_ =	shalt  }
0x4b: {  	_ =	shalt  }
0x4c: {  	_ =	shalt  }
0x4d: {  	_ =	shalt  }
0x4e: {  	_ =	shalt  }
0x4f: {  	_ =	shalt  }
0x50: {  	_ =	shalt  }
0x51: {  	_ =	shalt  }
0x52: {  	_ =	shalt  }
0x53: {  	_ =	shalt  }
0x54: {  	_ =	shalt  }
0x55: {  	_ =	shalt  }
0x56: {  	_ =	shalt  }
0x57: {  	_ =	shalt  }
0x58: {  	_ =	shalt  }
0x59: {  	_ =	shalt  }
0x5a: {  	_ =	shalt  }
0x5b: {  	_ =	shalt  }
0x5c: {  	_ =	shalt  }
0x5d: {  	_ =	shalt  }
0x5e: {  	_ =	shalt  }
0x5f: {  	_ =	shalt  }
0x60: {  	_ =	shalt  }
0x61: {  	_ =	shalt  }
0x62: {  	_ =	shalt  }
0x63: {  	_ =	shalt  }
0x64: {  	_ =	shalt  }
0x65: {  	_ =	shalt  }
0x66: {  	_ =	shalt  }
0x67: {  	_ =	shalt  }
0x68: {  	_ =	shalt  }
0x69: {  	_ =	shalt  }
0x6a: {  	_ =	shalt  }
0x6b: {  	_ =	shalt  }
0x6c: {  	_ =	shalt  }
0x6d: {  	_ =	shalt  }
0x6e: {  	_ =	shalt  }
0x6f: {  	_ =	shalt  }
0x70: {  	_ =	shalt  }
0x71: {  	_ =	shalt  }
0x72: {  	_ =	shalt  }
0x73: {  	_ =	shalt  }
0x74: {  	_ =	shalt  }
0x75: {  	_ =	shalt  }
0x76: {  	_ =	shalt  }
0x77: {  	_ =	shalt  }
0x78: {  	_ =	shalt  }
0x79: {  	_ =	shalt  }
0x7a: {  	_ =	shalt  }
0x7b: {  	_ =	shalt  }
0x7c: {  	_ =	shalt  }
0x7d: {  	_ =	shalt  }
0x7e: {  	_ =	shalt  }
0x7f: {  	_ =	shalt  }
0x80: {  	_ =	shalt  }
0x81: {  	_ =	shalt  }
0x82: {  	_ =	shalt  }
0x83: {  	_ =	shalt  }
0x84: {  	_ =	shalt  }
0x85: {  	_ =	shalt  }
0x86: {  	_ =	shalt  }
0x87: {  	_ =	shalt  }
.Lfunc_end0:
.L_simem_size_0:
called_computation_lowered:
.L_overlay_start_0:
0x88: {  	s2 =	sld [smem:$0x3FD9]  }
0x89: {  	s3 =	sld [smem:$0x3FFE];
	_ =	sdelay $0x1  }
0x8a: {  	s1 =	srdreg.scid  }
0x8b: {  	s0 =	sand.u32 $0x1, s1  }
0x8c: {  	s17 =	sshll.u32 s0, $0xA;
	s2 =	sadd.s32 s3, s2  }
0x8d: {  	s2 =	sadd.s32 s2, s17  }
0x8e: {  	[smem:$0x3FC6] =	sst s2  }
0x8f: {  	_ = 	snop  }
0x90: {  	s2 =	sld [smem:$0x3FC9]  }
0x91: {  	s18 =	sld [smem:$0x3FD0];
	(tm) =	ssettm $0x1  }
0x92: {  	s4 =	sld [smem:$0x3FFB];
	_ =	sdelay $0x3  }
0x93: {  	_ =	strace s4  }
0x94: {  	s4 =	sld [smem:$0x3FFC];
	_ =	sdelay $0x3  }
0x95: {  	_ =	strace s4  }
0x96: {  	s4 =	sld [smem:$0x3FFD];
	_ =	sdelay $0x3  }
0x97: {  	_ =	strace s4  }
0x98: {  	_ =	strace $0x8FFFFFFF  }
0x99: {  	s19 =	sld [smem:$0x3FDB];
	_ =	sdelay $0x1  }
0x9a: {  	s5 =	simm.s32 $_scs_section_size  }
0x9b: {  	s6 =	simm.s32 $_size__tile_overlayer_lowered;
	s7 =	simm.s32 $_tile_overlayer_lowered  }
0x9c: {  	s22 =	simm.s32 $0x1BFF;
	s21 =	sshll.u32 s7, $0x1;
	s4 =	sadd.s32 s5, s19  }
0x9d: {  	s8 =	simm.s32 $0x0;
	s20 =	sshll.u32 s6, $0x1;
	s6 =	sadd.s32 s21, s4  }
0x9e: {  	[timem:s8], [sflag:s22] =	dma.local [hbm:s6], s20  }
0x9f: {  	_ =	swait.ge [sflag:s22], s20  }
0xa0: {  	s5 =	ssub.s32 $0x0, s20;
	[sflag:s22] =	ssyncset.done $0x0  }
0xa1: {  	[sflag:s22] =	ssyncadd.s32 s5;
	_ =	sdelay $0x1  }
0xa2: {  	s23 =	simm.s32 $0x1B8B  }
0xa3: {  	_ =	swait.ge [sflag:s23], $0x1  }
0xa4: {  	[sflag:s23] =	ssyncset.done $0x0  }
0xa5: {  	s25 =	simm.s32 $0x1B8E;
	s24 =	sld [smem:$0x3FFE];
	[sflag:s23] =	ssyncadd.s32 $0xFFFFFFFF  }
0xa6: {  	s26 =	simm.s32 $execute0_lowered;
	[smem:$0x3FD2] =	sst s25  }
0xa7: {  	s6 =	sshll.u32 s26, $0x1;
	_ =	strace $0x80000046;
	[dreg:$0x1] =	wrdreg $0xFFFFFFFF  }
0xa8: {  	s28 =	simm.s32 $_size_execute0_lowered;
	s4 =	sadd.s32 s4, s6;
	[dreg:$0x0] =	wrdreg $0x0  }
0xa9: {  	s6 =	sshll.u32 s28, $0x1;
	[dreg:$0x2] =	wrdreg s4  }
0xaa: {  	[dreg:$0x3] =	wrdreg s6  }
0xab: {  	[dreg:$0x4] =	wrdreg $0xC0  }
0xac: {  	_ =	task [dreg:s8], $0x5FFFF  }
0xad: {  	[dreg:$0x1] =	wrdreg $0xFFFFFFFF  }
0xae: {  	[dreg:$0x0] =	wrdreg $0x60  }
0xaf: {  	[dreg:$0x2] =	wrdreg s2  }
0xb0: {  	[dreg:$0x3] =	wrdreg s24  }
0xb1: {  	[dreg:$0x4] =	wrdreg s18  }
0xb2: {  	[dreg:$0x5] =	wrdreg $0x9  }
0xb3: {  	_ =	task.clear_ibuf [dreg:s8], $0x6FFFF;
	_ =	strace $0x90000046  }
0xb4: {  	s29 =	simm.s32 $0x9;
	_ =	strace $0x80000048  }
0xb5: {  	_ =	swait.ge [sflag:s29], $0x1  }
0xb6: {  	[sflag:s29] =	ssyncadd.s32 $0xFFFFFFFF  }
0xb7: {  	_ =	strace $0x90000048  }
0xb8: {  	_ =	sfence  }
0xb9: {  	s30 =	sld [smem:$0x0];
	_ =	sdelay $0x2  }
0xba: {  	s31 =	sshll.u32 s1, $0xD;
	s1 =	sshrl.u32 s1, $0x2  }
0xbb: {  	s3 =	sand.u32 $0x4000, s31;
	s1 =	sadd.s32 s1, s30  }
0xbc: {  	s0 =	sor.u32 s3, s0;
	s1 =	sshll.u32 s1, $0x11  }
0xbd: {  	s0 =	sor.u32 s1, s0  }
0xbe: {  	s0 =	sadd.s32 $0x8F2B, s0  }
0xbf: {  	[sflag:s0] =	ssyncadd.remote.s32 $0x1  }
0xc0: {  	_ =	sfence.sel $0xFFFF  }
0xc1: {  	[dreg:$0x0] =	wrdreg $0xFFFFFFFF;
	(pc) =	sbr.abs _section_cstart, $3  }
0xc2: {  	[dreg:$0x1] =	wrdreg $0xFFFFFFFF  }
0xc3: {  	_ =	task.clear_ibuf [dreg:s8], $0x2FFFF;
	_ =	strace $0x9FFFFFFF  }
0xc4: {  	(tm) =	ssettm $0x7FFFFFFF  }
0xc5: {  	_ =	shalt  }
tec
execute0_lowered:
.L_overlay_start_1:
0x0: {  	(tag) =	ssettag $0x1  }
0x1: {  	s0 =	rddreg [dreg:$0x0]  }
0x2: {  	s1 =	rddreg [dreg:$0x1]  }
0x3: {  	s2 =	simm.s32 $0x0;
	s17 =	srdreg.scid;
	s3 =	stileid.u32  }
0x4: {  	[smem:$0x7FF] =	sst s2;
	s2 =	sand.u32 $0x1, s17;
	s3 =	sshll.u32 s3, $0x1  }
0x5: {  	s5 =	rddreg [dreg:$0x2];
	s18 =	ssub.s32 $0x2, s2;
	s2 =	sor.u32 s2, s3  }
0x6: {  	s1 =	sadd.s32 $0x400, s1;
	_ =	strace $0x80000047;
	s4 =	sshll.u32 s2, $0x9  }
0x7: {  	[dreg:$0x13] =	wrdreg s1;
	s2 =	sshll.u32 s2, $0x2;
	s0 =	sadd.s32 s0, s4  }
0x8: {  	s20 =	sor.u32 $0xC80, s2;
	[dreg:$0x14] =	wrdreg s0  }
0x9: {  	s21 =	sor.u32 $0x1900, s2;
	[dreg:$0x15] =	wrdreg s20  }
0xa: {  	s22 =	sor.u32 $0x2580, s2;
	[dreg:$0x16] =	wrdreg s21  }
0xb: {  	s23 =	sor.u32 $0x3200, s2;
	[dreg:$0x17] =	wrdreg s22  }
0xc: {  	s24 =	sor.u32 $0x3E80, s2;
	[dreg:$0x18] =	wrdreg s23  }
0xd: {  	s25 =	sor.u32 $0x4B00, s2;
	[dreg:$0x19] =	wrdreg s24  }
0xe: {  	s26 =	sor.u32 $0x5780, s2;
	[dreg:$0x1a] =	wrdreg s25  }
0xf: {  	s28 =	sor.u32 $0x6400, s2;
	[dreg:$0x1b] =	wrdreg s26  }
0x10: {  	s19 =	sshrl.u32 s18, $0x1;
	s29 =	sor.u32 $0x7080, s2;
	[dreg:$0x1c] =	wrdreg s28  }
0x11: {  	s1 =	ssub.s32 s18, s19;
	s30 =	sadd.s32 s5, s4;
	[dreg:$0x1d] =	wrdreg s29  }
0x12: {  	[dreg:$0x1e] =	wrdreg s30;
	s31 =	smax.u32 s1, $0x1  }
0x13: {  	s2 =	simm.s32 $0x0;
	[dreg:$0x1f] =	wrdreg s31  }
.LBB2_1:
0x14: {  	[smem:$0x7FD] =	sst s2;
	s0 =	simm.s32 $0x0  }
0x15: {  	s1 =	rddreg [dreg:$0x13];
	s29 =	simm.s32 $0x16000;
	s30 =	simm.s32 $0x5  }
0x16: {  	[tilespmem:s29], [sflag:$0x5] =	stream.linear.gather [hbm4b:s1+s0], $0x64, $0x38;
	[tilespmem:$0x16080] =	vst v63  }
0x17: {  	_ =	swait.ge [sflag:s30], $0x64  }
0x18: {  	[sflag:s30] =	ssyncset.done $0x0  }
0x19: {  	[sflag:s30] =	ssyncadd.s32 $0xFFFFFF9C  }
0x1a: {  	v0 =	vld [tilespmem:$0x16000]  }
0x1b: {  	v1 =	vld [tilespmem:$0x1600A]  }
0x1c: {  	v2 =	vld [tilespmem:$0x16014]  }
0x1d: {  	v3 =	vld [tilespmem:$0x1601E]  }
0x1e: {  	v4 =	vld [tilespmem:$0x16028]  }
0x1f: {  	v5 =	vld [tilespmem:$0x16032]  }
0x20: {  	v6 =	vld [tilespmem:$0x1603C]  }
0x21: {  	v7 =	vld [tilespmem:$0x16046]  }
0x22: {  	v8 =	vld [tilespmem:$0x16050]  }
0x23: {  	v9 =	vld [tilespmem:$0x1605A]  }
0x24: {  	v0 =	vadd.f32 v0, v0;
	v1 =	vadd.f32 v1, v1  }
0x25: {  	v2 =	vadd.f32 v2, v2;
	v3 =	vadd.f32 v3, v3  }
0x26: {  	v4 =	vadd.f32 v4, v4;
	v5 =	vadd.f32 v5, v5  }
0x27: {  	s16 =	simm.s32 $0x0;
	s31 =	rddreg [dreg:$0x14];
	v6 =	vadd.f32 v6, v6;
	v7 =	vadd.f32 v7, v7  }
0x28: {  	[tilespmem:s0], [sflag:$0x1] =	stream.linear.gather [hbm4b:s31+s0], $0x1000, $0x38;
	v8 =	vadd.f32 v8, v8;
	v9 =	vadd.f32 v9, v9;
	[tilespmem:$0x16080] =	vst v63  }
.LBB2_2:
0x29: {  	s0 =	sand.u32 $0x1, s16  }
0x2a: {  	p0 =	seq.s32 s16, $0x18;
	s3 =	sadd.s32 $0x1, s16;
	s1 =	sadd.s32 $0x1, s0  }
0x2b: {  	s2 =	sxor.u32 @!p0 $0x1, s0;
	p1 =	slt.u32 @!p0 s16, $0x2;
	_ =	swait.ge [sflag:s1], $0x1000  }
0x2c: {  	[sflag:s1] =	ssyncset.done $0x0;
	[smem:$0x7FC] =	sst s3;
	s3 =	sshll.u32 @!p0 s3, $0xE  }
0x2d: {  	s4 =	rddreg [dreg:$0x14];
	[sflag:s1] =	ssyncadd.s32 $0xFFFFF000;
	s1 =	sshll.u32 @!p0 s2, $0xC  }
0x2e: {  	s2 =	sadd.s32 @!p0 $0x1, s2;
	s3 =	sadd.s32 @!p0 s3, s4;
	s4 =	simm.s32 @!p0 $0x0  }
0x2f: {  	[tilespmem:s1], [sflag:s2] =	stream.linear.gather @!p0 [hbm4b:s3+s4], $0x1000, $0x38;
	[tilespmem:$0x16080] =	vst v63  }
0x30: {  	p0 =	por p0, !p1;
	s1 =	sadd.s32 $0x3, s0  }
0x31: {  	_ =	swait.ge @p0 [sflag:s1], $0x1000  }
0x32: {  	[sflag:s1] =	ssyncset.done @p0 $0x0  }
0x33: {  	[sflag:s1] =	ssyncadd.s32 @p0 $0xFFFFF000  }
0x34: {  	_ =	swait.ge @p0 [sflag:s1], $0x1000  }
0x35: {  	[sflag:s1] =	ssyncset.done @p0 $0x0  }
0x36: {  	[sflag:s1] =	ssyncadd.s32 @p0 $0xFFFFF000  }
0x37: {  	_ =	swait.ge @p0 [sflag:s1], $0x1000  }
0x38: {  	[sflag:s1] =	ssyncset.done @p0 $0x0  }
0x39: {  	[sflag:s1] =	ssyncadd.s32 @p0 $0xFFFFF000  }
0x3a: {  	_ =	swait.ge @p0 [sflag:s1], $0x1000  }
0x3b: {  	[sflag:s1] =	ssyncset.done @p0 $0x0  }
0x3c: {  	[sflag:s1] =	ssyncadd.s32 @p0 $0xFFFFF000  }
0x3d: {  	_ =	swait.ge @p0 [sflag:s1], $0x1000  }
0x3e: {  	[sflag:s1] =	ssyncset.done @p0 $0x0  }
0x3f: {  	[sflag:s1] =	ssyncadd.s32 @p0 $0xFFFFF000  }
0x40: {  	_ =	swait.ge @p0 [sflag:s1], $0x1000  }
0x41: {  	[sflag:s1] =	ssyncset.done @p0 $0x0  }
0x42: {  	[sflag:s1] =	ssyncadd.s32 @p0 $0xFFFFF000  }
0x43: {  	_ =	swait.ge @p0 [sflag:s1], $0x1000  }
0x44: {  	[sflag:s1] =	ssyncset.done @p0 $0x0  }
0x45: {  	[sflag:s1] =	ssyncadd.s32 @p0 $0xFFFFF000  }
0x46: {  	_ =	swait.ge @p0 [sflag:s1], $0x1000  }
0x47: {  	[sflag:s1] =	ssyncset.done @p0 $0x0  }
0x48: {  	[sflag:s1] =	ssyncadd.s32 @p0 $0xFFFFF000  }
0x49: {  	_ =	swait.ge @p0 [sflag:s1], $0x1000  }
0x4a: {  	[sflag:s1] =	ssyncset.done @p0 $0x0  }
0x4b: {  	s29 =	sshll.u32 s0, $0xC;
	[sflag:s1] =	ssyncadd.s32 @p0 $0xFFFFF000  }
0x4c: {  	s28 =	simm.s32 $0x0;
	_ =	swait.ge @p0 [sflag:s1], $0x1000;
	[dreg:$0x4] =	wrdreg s29  }
0x4d: {  	s5 =	sand.u32 $0xF80, s28;
	[sflag:s1] =	ssyncset.done @p0 $0x0;
	[smem:$0x7F9] =	sst s1  }
0x4e: {  	s30 =	rddreg [dreg:$0x4];
	[sflag:s1] =	ssyncadd.s32 @p0 $0xFFFFF000;
	s1 =	sand.u32 $0x40, s28  }
0x4f: {  	s3 =	sadd.s32 s5, s30;
	s10 =	sor.u32 $0x30, s1  }
0x50: {  	s2 =	sadd.s32 s10, s3  }
0x51: {  	s0 =	smul.u32 $0x28000, s0;
	v10 =	vld [tilespmem:s2+$0x0];
	_ =	sdelay $0x1  }
0x52: {  	s31 =	sshrl.u32 s0, $0x2  }
0x53: {  	s6 =	sadd.s32 $0x2000, s31  }
0x54: {  	s0 =	sadd.s32 $0x3000, s31;
	[dreg:$0xe] =	wrdreg s6  }
0x55: {  	s7 =	sadd.s32 $0x4000, s31;
	s18 =	sadd.s32 s5, s6;
	[dreg:$0xd] =	wrdreg s0;
	v11 =	vperm.xlane v0, v10  }
0x56: {  	s8 =	sadd.s32 s10, s18;
	[dreg:$0x8] =	wrdreg s7  }
0x57: {  	s19 =	sadd.s32 s5, s0;
	s6 =	sadd.s32 $0x5000, s31;
	v12 =	vperm.xlane v1, v10;
	[tilespmem:s8+$0x0] =	vst v11  }
0x58: {  	s11 =	sadd.s32 s10, s19;
	[dreg:$0x7] =	wrdreg s6  }
0x59: {  	s9 =	sadd.s32 $0x6000, s31;
	s20 =	sadd.s32 s5, s7;
	v11 =	vperm.xlane v2, v10;
	[tilespmem:s11+$0x0] =	vst v12  }
0x5a: {  	s12 =	sadd.s32 s10, s20;
	[dreg:$0x5] =	wrdreg s9  }
0x5b: {  	s13 =	sadd.s32 s1, s3;
	s21 =	sadd.s32 s5, s6;
	s8 =	sadd.s32 $0x7000, s31;
	v12 =	vperm.xlane v3, v10;
	[tilespmem:s12+$0x0] =	vst v11  }
0x5c: {  	s14 =	sadd.s32 s10, s21;
	v13 =	vld [tilespmem:s13+$0x0];
	[dreg:$0x6] =	wrdreg s8  }
0x5d: {  	s15 =	sadd.s32 $0x8000, s31;
	s6 =	sadd.s32 s5, s9;
	v11 =	vperm.xlane v4, v10;
	[tilespmem:s14+$0x0] =	vst v12  }
0x5e: {  	s17 =	sadd.s32 s10, s6;
	[dreg:$0x9] =	wrdreg s15  }
0x5f: {  	s7 =	sadd.s32 s5, s8;
	s9 =	sadd.s32 $0x9000, s31;
	v12 =	vperm.xlane v5, v10;
	[tilespmem:s17+$0x0] =	vst v11  }
0x60: {  	s11 =	sadd.s32 s10, s7;
	[dreg:$0xa] =	wrdreg s9  }
0x61: {  	s22 =	sadd.s32 $0xA000, s31;
	s8 =	sadd.s32 s5, s15;
	v11 =	vperm.xlane v6, v10;
	[tilespmem:s11+$0x0] =	vst v12  }
0x62: {  	s23 =	sadd.s32 s10, s8;
	[dreg:$0xb] =	wrdreg s22  }
0x63: {  	s2 =	sadd.s32 $0xB000, s31;
	s9 =	sadd.s32 s5, s9;
	v12 =	vperm.xlane v7, v10;
	[tilespmem:s23+$0x0] =	vst v11  }
0x64: {  	s0 =	sadd.s32 s5, s22;
	s24 =	sadd.s32 s10, s9;
	v11 =	vperm.xlane v8, v10;
	[dreg:$0xc] =	wrdreg s2  }
0x65: {  	s25 =	sadd.s32 s10, s0;
	v10 =	vperm.xlane v9, v10;
	s2 =	sadd.s32 s5, s2;
	[tilespmem:s24+$0x0] =	vst v12  }
0x66: {  	v12 =	vperm.xlane v0, v13;
	s26 =	sadd.s32 s10, s2;
	[tilespmem:s25+$0x0] =	vst v11  }
0x67: {  	s29 =	sadd.s32 s1, s18;
	v11 =	vperm.xlane v1, v13;
	[tilespmem:s26+$0x0] =	vst v10  }
0x68: {  	s30 =	sadd.s32 s1, s19;
	s10 =	sor.u32 $0x10, s1;
	v10 =	vperm.xlane v2, v13;
	[tilespmem:s29+$0x0] =	vst v12  }
0x69: {  	s31 =	sadd.s32 s1, s20;
	s4 =	sadd.s32 s10, s3;
	v12 =	vperm.xlane v3, v13;
	[tilespmem:s30+$0x0] =	vst v11  }
0x6a: {  	s12 =	sadd.s32 s1, s21;
	v14 =	vld [tilespmem:s4+$0x0];
	[tilespmem:s31+$0x0] =	vst v10;
	v10 =	vperm.xlane v4, v13  }
0x6b: {  	s13 =	sadd.s32 s1, s6;
	v11 =	vperm.xlane v5, v13;
	[tilespmem:s12+$0x0] =	vst v12  }
0x6c: {  	s14 =	sadd.s32 s1, s7;
	v12 =	vperm.xlane v6, v13;
	[tilespmem:s13+$0x0] =	vst v10  }
0x6d: {  	s15 =	sadd.s32 s1, s8;
	v10 =	vperm.xlane v7, v13;
	[tilespmem:s14+$0x0] =	vst v11  }
0x6e: {  	s17 =	sadd.s32 s1, s9;
	v11 =	vperm.xlane v8, v13;
	[tilespmem:s15+$0x0] =	vst v12  }
0x6f: {  	s22 =	sadd.s32 s1, s0;
	s23 =	sor.u32 $0x20, s1;
	v12 =	vperm.xlane v0, v14;
	[tilespmem:s17+$0x0] =	vst v10  }
0x70: {  	s3 =	sadd.s32 s23, s3;
	s24 =	sadd.s32 s10, s18;
	v10 =	vperm.xlane v9, v13;
	[tilespmem:s22+$0x0] =	vst v11  }
0x71: {  	s1 =	sadd.s32 s1, s2;
	v17 =	vld [tilespmem:s3+$0x0];
	v13 =	vperm.xlane v1, v14;
	[tilespmem:s24+$0x0] =	vst v12  }
0x72: {  	s25 =	sadd.s32 s10, s19;
	v11 =	vperm.xlane v2, v14;
	[tilespmem:s1+$0x0] =	vst v10  }
0x73: {  	s26 =	sadd.s32 s10, s20;
	v15 =	vperm.xlane v3, v14;
	[tilespmem:s25+$0x0] =	vst v13  }
0x74: {  	s29 =	sadd.s32 s10, s21;
	v18 =	vperm.xlane v5, v14;
	v10 =	vperm.xlane v4, v14;
	[tilespmem:s26+$0x0] =	vst v11  }
0x75: {  	s5 =	sadd.s32 s23, s19;
	s30 =	sadd.s32 s10, s6;
	v20 =	vperm.xlane v6, v14;
	v22 =	vperm.xlane v7, v14;
	[tilespmem:s29+$0x0] =	vst v15  }
0x76: {  	s11 =	sadd.s32 s23, s20;
	s3 =	sadd.s32 s23, s18;
	s12 =	sadd.s32 s10, s7;
	v16 =	vperm.xlane v3, v17;
	v19 =	vperm.xlane v5, v17;
	[tilespmem:s30+$0x0] =	vst v10  }
0x77: {  	s31 =	sshll.u32 s16, $0xE;
	s7 =	sadd.s32 s23, s7;
	s13 =	sadd.s32 s10, s8;
	v21 =	vperm.xlane v7, v17;
	v12 =	vperm.xlane v9, v14;
	[tilespmem:s12+$0x0] =	vst v18  }
0x78: {  	s14 =	sadd.s32 s10, s0;
	s15 =	sadd.s32 s23, s21;
	s21 =	simm.s32 $0x0;
	v13 =	vperm.xlane v0, v17;
	v11 =	vperm.xlane v8, v14;
	[tilespmem:s13+$0x0] =	vst v20  }
0x79: {  	s25 =	sadd.s32 s10, s9;
	s10 =	sadd.s32 s10, s2;
	v14 =	vperm.xlane v1, v17;
	v15 =	vperm.xlane v2, v17;
	[smem:$0x7FA] =	sst s16  }
0x7a: {  	s1 =	sadd.s32 s23, s8;
	s8 =	sadd.s32 s23, s0;
	v18 =	vperm.xlane v4, v17;
	v20 =	vperm.xlane v6, v17;
	[smem:$0x7FB] =	sst s31  }
0x7b: {  	s12 =	sadd.s32 s23, s6;
	s13 =	sadd.s32 s23, s9;
	s9 =	sadd.s32 s23, s2;
	[tilespmem:s25+$0x0] =	vst v22;
	v22 =	vperm.xlane v8, v17;
	v17 =	vperm.xlane v9, v17  }
.LBB2_3:
0x7c: {  	[tilespmem:s14+$0x0] =	vst v11  }
0x7d: {  	s28 =	sadd.s32 $0x40, s28;
	[tilespmem:s3+$0x0] =	vst v13  }
0x7e: {  	s18 =	rddreg [dreg:$0x4];
	s14 =	sand.u32 $0xF80, s28;
	s6 =	sand.u32 $0x40, s28;
	[tilespmem:s10+$0x0] =	vst v12  }
0x7f: {  	s0 =	sadd.s32 s14, s18;
	s10 =	sor.u32 $0x30, s6;
	[tilespmem:s5+$0x0] =	vst v14  }
0x80: {  	s18 =	sadd.s32 s10, s0;
	[tilespmem:s11+$0x0] =	vst v15  }
0x81: {  	s2 =	sadd.s32 s6, s0;
	v11 =	vld [tilespmem:s18+$0x0];
	[tilespmem:s15+$0x0] =	vst v16  }
0x82: {  	s19 =	sor.u32 $0x20, s6;
	v12 =	vld [tilespmem:s2+$0x0];
	[tilespmem:s12+$0x0] =	vst v18  }
0x83: {  	s3 =	sadd.s32 s19, s0;
	[tilespmem:s7+$0x0] =	vst v19  }
0x84: {  	s20 =	sor.u32 $0x10, s6;
	v10 =	vld [tilespmem:s3+$0x0];
	[tilespmem:s1+$0x0] =	vst v20  }
0x85: {  	s4 =	sadd.s32 s20, s0;
	s0 =	rddreg [dreg:$0xe];
	[tilespmem:s13+$0x0] =	vst v21  }
0x86: {  	s16 =	rddreg [dreg:$0x8];
	s7 =	sadd.s32 s14, s0;
	v14 =	vperm.xlane v0, v11;
	[tilespmem:s8+$0x0] =	vst v22  }
0x87: {  	s15 =	sadd.s32 s10, s7;
	s13 =	rddreg [dreg:$0xd];
	v15 =	vperm.xlane v0, v12;
	[tilespmem:s9+$0x0] =	vst v17  }
0x88: {  	s23 =	rddreg [dreg:$0x5];
	s3 =	sadd.s32 s6, s7;
	s8 =	sadd.s32 s14, s13;
	v16 =	vperm.xlane v1, v11;
	[tilespmem:s15+$0x0] =	vst v14  }
0x89: {  	s25 =	rddreg [dreg:$0x6];
	v17 =	vperm.xlane v1, v12;
	s17 =	sadd.s32 s10, s8;
	[tilespmem:s3+$0x0] =	vst v15  }
0x8a: {  	s29 =	rddreg [dreg:$0x9];
	s1 =	sadd.s32 s14, s16;
	s5 =	sadd.s32 s6, s8;
	v14 =	vperm.xlane v2, v11;
	[tilespmem:s17+$0x0] =	vst v16  }
0x8b: {  	s18 =	rddreg [dreg:$0x7];
	s22 =	sadd.s32 s10, s1;
	v18 =	vperm.xlane v2, v12;
	[tilespmem:s5+$0x0] =	vst v17  }
0x8c: {  	s31 =	rddreg [dreg:$0xa];
	v13 =	vld [tilespmem:s4+$0x0];
	s11 =	sadd.s32 s6, s1;
	s9 =	sadd.s32 s14, s18;
	v16 =	vperm.xlane v3, v11;
	[tilespmem:s22+$0x0] =	vst v14  }
0x8d: {  	s4 =	rddreg [dreg:$0xb];
	s12 =	sadd.s32 s14, s23;
	v19 =	vperm.xlane v3, v12;
	s24 =	sadd.s32 s10, s9;
	[tilespmem:s11+$0x0] =	vst v18  }
0x8e: {  	s23 =	sadd.s32 s14, s25;
	s25 =	sadd.s32 s14, s29;
	s13 =	sadd.s32 s6, s9;
	v14 =	vperm.xlane v4, v11;
	[tilespmem:s24+$0x0] =	vst v16  }
0x8f: {  	s29 =	sadd.s32 s14, s31;
	s0 =	sadd.s32 s6, s12;
	s26 =	sadd.s32 s10, s12;
	v16 =	vperm.xlane v5, v11;
	[tilespmem:s13+$0x0] =	vst v19  }
0x90: {  	s30 =	sadd.s32 s10, s23;
	[dreg:$0xf] =	wrdreg s0;
	s0 =	sadd.s32 s6, s23;
	[tilespmem:s26+$0x0] =	vst v14;
	v14 =	vperm.xlane v6, v11  }
0x91: {  	s2 =	sadd.s32 s10, s25;
	[dreg:$0x10] =	wrdreg s0;
	s0 =	sadd.s32 s6, s25;
	v26 =	vperm.xlane v0, v13;
	[tilespmem:s30+$0x0] =	vst v16  }
0x92: {  	[dreg:$0x11] =	wrdreg s0;
	s0 =	sadd.s32 s6, s29;
	v16 =	vperm.xlane v7, v11;
	s30 =	sadd.s32 s20, s7;
	[tilespmem:s2+$0x0] =	vst v14  }
0x93: {  	s16 =	sadd.s32 s10, s29;
	v27 =	vperm.xlane v1, v13;
	[dreg:$0x12] =	wrdreg s0;
	[tilespmem:s30+$0x0] =	vst v26  }
0x94: {  	s0 =	sadd.s32 s14, s4;
	s31 =	sadd.s32 s20, s8;
	v14 =	vperm.xlane v8, v11;
	s2 =	rddreg [dreg:$0xc];
	[tilespmem:s16+$0x0] =	vst v16  }
0x95: {  	s4 =	sadd.s32 s20, s9;
	s17 =	sadd.s32 s10, s0;
	v11 =	vperm.xlane v9, v11;
	s2 =	sadd.s32 s14, s2;
	[tilespmem:s31+$0x0] =	vst v27  }
0x96: {  	v28 =	vperm.xlane v2, v13;
	s22 =	sadd.s32 s20, s23;
	s24 =	sadd.s32 s20, s25;
	[tilespmem:s17+$0x0] =	vst v14;
	s10 =	sadd.s32 s10, s2  }
0x97: {  	v20 =	vperm.xlane v4, v12;
	s26 =	sadd.s32 s20, s29;
	s16 =	sadd.s32 s20, s12;
	s17 =	sadd.s32 s20, s1;
	[tilespmem:s10+$0x0] =	vst v11  }
0x98: {  	v29 =	vperm.xlane v3, v13;
	s14 =	sadd.s32 s20, s0;
	s10 =	sadd.s32 s20, s2;
	s20 =	rddreg [dreg:$0xf];
	[tilespmem:s17+$0x0] =	vst v28  }
0x99: {  	v21 =	vperm.xlane v5, v12;
	[tilespmem:s20+$0x0] =	vst v20  }
0x9a: {  	v22 =	vperm.xlane v6, v12;
	v30 =	vperm.xlane v4, v13;
	s3 =	sadd.s32 s19, s7;
	s7 =	sadd.s32 s19, s23;
	s23 =	rddreg [dreg:$0x10];
	[tilespmem:s4+$0x0] =	vst v29  }
0x9b: {  	v23 =	vperm.xlane v7, v12;
	v24 =	vperm.xlane v8, v12;
	[tilespmem:s23+$0x0] =	vst v21  }
0x9c: {  	v25 =	vperm.xlane v9, v12;
	v31 =	vperm.xlane v5, v13;
	s11 =	sadd.s32 s19, s1;
	s1 =	sadd.s32 s19, s25;
	s25 =	rddreg [dreg:$0x11];
	[tilespmem:s16+$0x0] =	vst v30  }
0x9d: {  	s21 =	sadd.s32 $0x4, s21;
	v32 =	vperm.xlane v6, v13;
	v33 =	vperm.xlane v7, v13;
	[tilespmem:s25+$0x0] =	vst v22  }
0x9e: {  	p0 =	slt.u32 s21, $0xFC;
	v12 =	vperm.xlane v9, v13;
	v15 =	vperm.xlane v2, v10;
	s13 =	sadd.s32 s19, s29;
	s29 =	rddreg [dreg:$0x12];
	[tilespmem:s22+$0x0] =	vst v31  }
.Ltmp0:
0x9f: {  	v17 =	vperm.xlane v9, v10;
	v18 =	vperm.xlane v4, v10;
	[tilespmem:s29+$0x0] =	vst v23;
	(pc) =	sbr.rel @p0 .LBB2_3-.Ltmp0, $4  }
0xa0: {  	s18 =	sadd.s32 s6, s0;
	v19 =	vperm.xlane v5, v10;
	v16 =	vperm.xlane v3, v10;
	[tilespmem:s24+$0x0] =	vst v32  }
0xa1: {  	v14 =	vperm.xlane v1, v10;
	v11 =	vperm.xlane v8, v13;
	[tilespmem:s18+$0x0] =	vst v24  }
0xa2: {  	s15 =	sadd.s32 s19, s9;
	s5 =	sadd.s32 s19, s8;
	s6 =	sadd.s32 s6, s2;
	v13 =	vperm.xlane v0, v10;
	v20 =	vperm.xlane v6, v10;
	[tilespmem:s26+$0x0] =	vst v33  }
0xa3: {  	s8 =	sadd.s32 s19, s0;
	s12 =	sadd.s32 s19, s12;
	s9 =	sadd.s32 s19, s2;
	v21 =	vperm.xlane v7, v10;
	v22 =	vperm.xlane v8, v10;
	[tilespmem:s6+$0x0] =	vst v25  }
0xa4: {  	[tilespmem:s14+$0x0] =	vst v11  }
0xa5: {  	[tilespmem:s3+$0x0] =	vst v13  }
0xa6: {  	[tilespmem:s10+$0x0] =	vst v12  }
0xa7: {  	[tilespmem:s5+$0x0] =	vst v14  }
0xa8: {  	[tilespmem:s11+$0x0] =	vst v15  }
0xa9: {  	[tilespmem:s15+$0x0] =	vst v16  }
0xaa: {  	[tilespmem:s12+$0x0] =	vst v18  }
0xab: {  	[tilespmem:s7+$0x0] =	vst v19  }
0xac: {  	[tilespmem:s1+$0x0] =	vst v20  }
0xad: {  	[tilespmem:s13+$0x0] =	vst v21  }
0xae: {  	[tilespmem:s8+$0x0] =	vst v22  }
0xaf: {  	[tilespmem:s9+$0x0] =	vst v17  }
0xb0: {  	s0 =	rddreg [dreg:$0x1e]  }
0xb1: {  	s1 =	sld [smem:$0x7FB]  }
0xb2: {  	s4 =	sld [smem:$0x7F9]  }
0xb3: {  	s13 =	sld [smem:$0x7FA]  }
0xb4: {  	s11 =	simm.s32 $0x0;
	s12 =	rddreg [dreg:$0xe];
	s0 =	sadd.s32 s1, s0  }
0xb5: {  	[hbm4b:s0+s11] =	stream.linear.scatter [tilespmem:s12], [sflag:s4], $0x1000, $0x38;
	[tilespmem:$0x16080] =	vst v63  }
0xb6: {  	s14 =	rddreg [dreg:$0x15];
	s0 =	sshll.u32 s13, $0x7  }
0xb7: {  	s1 =	sadd.s32 s14, s0  }
0xb8: {  	s2 =	rddreg [dreg:$0x2];
	s1 =	sshll.u32 s1, $0x7  }
0xb9: {  	s5 =	rddreg [dreg:$0xd];
	s1 =	sand.u32 $0x1FFFFE00, s1  }
0xba: {  	s15 =	rddreg [dreg:$0x16];
	s1 =	sadd.s32 s2, s1  }
0xbb: {  	[hbm4b:s1+s11] =	stream.linear.scatter [tilespmem:s5], [sflag:s4], $0x1000, $0x38;
	[tilespmem:$0x16080] =	vst v63  }
0xbc: {  	s1 =	sadd.s32 s15, s0  }
0xbd: {  	s1 =	sshll.u32 s1, $0x7  }
0xbe: {  	s16 =	rddreg [dreg:$0x8];
	s1 =	sand.u32 $0x1FFFFE00, s1  }
0xbf: {  	s17 =	rddreg [dreg:$0x17];
	s1 =	sadd.s32 s2, s1  }
0xc0: {  	[hbm4b:s1+s11] =	stream.linear.scatter [tilespmem:s16], [sflag:s4], $0x1000, $0x38;
	[tilespmem:$0x16080] =	vst v63  }
0xc1: {  	s1 =	sadd.s32 s17, s0  }
0xc2: {  	s1 =	sshll.u32 s1, $0x7  }
0xc3: {  	s18 =	rddreg [dreg:$0x7];
	s1 =	sand.u32 $0x1FFFFE00, s1  }
0xc4: {  	s19 =	rddreg [dreg:$0x18];
	s1 =	sadd.s32 s2, s1  }
0xc5: {  	[hbm4b:s1+s11] =	stream.linear.scatter [tilespmem:s18], [sflag:s4], $0x1000, $0x38;
	[tilespmem:$0x16080] =	vst v63  }
0xc6: {  	s1 =	sadd.s32 s19, s0  }
0xc7: {  	s1 =	sshll.u32 s1, $0x7  }
0xc8: {  	s20 =	rddreg [dreg:$0x5];
	s1 =	sand.u32 $0x1FFFFE00, s1  }
0xc9: {  	s21 =	rddreg [dreg:$0x19];
	s1 =	sadd.s32 s2, s1  }
0xca: {  	[hbm4b:s1+s11] =	stream.linear.scatter [tilespmem:s20], [sflag:s4], $0x1000, $0x38;
	[tilespmem:$0x16080] =	vst v63  }
0xcb: {  	s1 =	sadd.s32 s21, s0  }
0xcc: {  	s1 =	sshll.u32 s1, $0x7  }
0xcd: {  	s22 =	rddreg [dreg:$0x6];
	s1 =	sand.u32 $0x1FFFFE00, s1  }
0xce: {  	s23 =	rddreg [dreg:$0x1a];
	s1 =	sadd.s32 s2, s1  }
0xcf: {  	[hbm4b:s1+s11] =	stream.linear.scatter [tilespmem:s22], [sflag:s4], $0x1000, $0x38;
	[tilespmem:$0x16080] =	vst v63  }
0xd0: {  	s1 =	sadd.s32 s23, s0  }
0xd1: {  	s1 =	sshll.u32 s1, $0x7  }
0xd2: {  	s24 =	rddreg [dreg:$0x9];
	s1 =	sand.u32 $0x1FFFFE00, s1  }
0xd3: {  	s25 =	rddreg [dreg:$0x1b];
	s1 =	sadd.s32 s2, s1  }
0xd4: {  	[hbm4b:s1+s11] =	stream.linear.scatter [tilespmem:s24], [sflag:s4], $0x1000, $0x38;
	[tilespmem:$0x16080] =	vst v63  }
0xd5: {  	s1 =	sadd.s32 s25, s0  }
0xd6: {  	s26 =	rddreg [dreg:$0xa];
	s1 =	sshll.u32 s1, $0x7  }
0xd7: {  	s28 =	rddreg [dreg:$0x1c];
	s1 =	sand.u32 $0x1FFFFE00, s1  }
0xd8: {  	s16 =	sld [smem:$0x7FC];
	s1 =	sadd.s32 s2, s1  }
0xd9: {  	[hbm4b:s1+s11] =	stream.linear.scatter [tilespmem:s26], [sflag:s4], $0x1000, $0x38;
	[tilespmem:$0x16080] =	vst v63  }
0xda: {  	s30 =	rddreg [dreg:$0x1d];
	s1 =	sadd.s32 s28, s0  }
0xdb: {  	p0 =	sne.s32 s16, $0x19;
	s0 =	sadd.s32 s30, s0;
	s1 =	sshll.u32 s1, $0x7  }
.Ltmp1:
0xdc: {  	s0 =	sshll.u32 s0, $0x7;
	s1 =	sand.u32 $0x1FFFFE00, s1;
	(pc) =	sbr.rel @p0 .LBB2_2-.Ltmp1, $4  }
0xdd: {  	s29 =	rddreg [dreg:$0xb];
	s0 =	sand.u32 $0x1FFFFE00, s0;
	s1 =	sadd.s32 s2, s1  }
0xde: {  	[hbm4b:s1+s11] =	stream.linear.scatter [tilespmem:s29], [sflag:s4], $0x1000, $0x38;
	[tilespmem:$0x16080] =	vst v63  }
0xdf: {  	s31 =	rddreg [dreg:$0xc];
	s0 =	sadd.s32 s2, s0  }
0xe0: {  	[hbm4b:s0+s11] =	stream.linear.scatter [tilespmem:s31], [sflag:s4], $0x1000, $0x38;
	[tilespmem:$0x16080] =	vst v63  }
0xe1: {  	s0 =	simm.s32 $0x4  }
0xe2: {  	_ =	swait.ge [sflag:s0], $0x1000  }
0xe3: {  	[sflag:s0] =	ssyncset.done $0x0  }
0xe4: {  	s1 =	simm.s32 $0x3;
	[sflag:s0] =	ssyncadd.s32 $0xFFFFF000  }
0xe5: {  	_ =	swait.ge [sflag:s1], $0x1000  }
0xe6: {  	[sflag:s1] =	ssyncset.done $0x0  }
0xe7: {  	[sflag:s1] =	ssyncadd.s32 $0xFFFFF000  }
0xe8: {  	_ =	swait.ge [sflag:s0], $0x1000  }
0xe9: {  	[sflag:s0] =	ssyncset.done $0x0  }
0xea: {  	[sflag:s0] =	ssyncadd.s32 $0xFFFFF000  }
0xeb: {  	_ =	swait.ge [sflag:s1], $0x1000  }
0xec: {  	[sflag:s1] =	ssyncset.done $0x0  }
0xed: {  	[sflag:s1] =	ssyncadd.s32 $0xFFFFF000  }
0xee: {  	_ =	swait.ge [sflag:s0], $0x1000  }
0xef: {  	[sflag:s0] =	ssyncset.done $0x0  }
0xf0: {  	[sflag:s0] =	ssyncadd.s32 $0xFFFFF000  }
0xf1: {  	_ =	swait.ge [sflag:s1], $0x1000  }
0xf2: {  	[sflag:s1] =	ssyncset.done $0x0  }
0xf3: {  	[sflag:s1] =	ssyncadd.s32 $0xFFFFF000  }
0xf4: {  	_ =	swait.ge [sflag:s0], $0x1000  }
0xf5: {  	[sflag:s0] =	ssyncset.done $0x0  }
0xf6: {  	[sflag:s0] =	ssyncadd.s32 $0xFFFFF000  }
0xf7: {  	_ =	swait.ge [sflag:s1], $0x1000  }
0xf8: {  	[sflag:s1] =	ssyncset.done $0x0  }
0xf9: {  	[sflag:s1] =	ssyncadd.s32 $0xFFFFF000  }
0xfa: {  	_ =	swait.ge [sflag:s0], $0x1000  }
0xfb: {  	[sflag:s0] =	ssyncset.done $0x0  }
0xfc: {  	[sflag:s0] =	ssyncadd.s32 $0xFFFFF000  }
0xfd: {  	_ =	swait.ge [sflag:s1], $0x1000  }
0xfe: {  	[sflag:s1] =	ssyncset.done $0x0  }
0xff: {  	[sflag:s1] =	ssyncadd.s32 $0xFFFFF000  }
0x100: {  	_ =	swait.ge [sflag:s0], $0x1000  }
0x101: {  	[sflag:s0] =	ssyncset.done $0x0  }
0x102: {  	[sflag:s0] =	ssyncadd.s32 $0xFFFFF000  }
0x103: {  	_ =	swait.ge [sflag:s1], $0x1000  }
0x104: {  	[sflag:s1] =	ssyncset.done $0x0  }
0x105: {  	[sflag:s1] =	ssyncadd.s32 $0xFFFFF000  }
0x106: {  	_ =	swait.ge [sflag:s0], $0x1000  }
0x107: {  	[sflag:s0] =	ssyncset.done $0x0  }
0x108: {  	[sflag:s0] =	ssyncadd.s32 $0xFFFFF000  }
0x109: {  	_ =	swait.ge [sflag:s1], $0x1000  }
0x10a: {  	[sflag:s1] =	ssyncset.done $0x0  }
0x10b: {  	[sflag:s1] =	ssyncadd.s32 $0xFFFFF000  }
0x10c: {  	_ =	swait.ge [sflag:s0], $0x1000  }
0x10d: {  	[sflag:s0] =	ssyncset.done $0x0  }
0x10e: {  	[sflag:s0] =	ssyncadd.s32 $0xFFFFF000  }
0x10f: {  	_ =	swait.ge [sflag:s1], $0x1000  }
0x110: {  	[sflag:s1] =	ssyncset.done $0x0  }
0x111: {  	[sflag:s1] =	ssyncadd.s32 $0xFFFFF000  }
0x112: {  	_ =	swait.ge [sflag:s0], $0x1000  }
0x113: {  	[sflag:s0] =	ssyncset.done $0x0  }
0x114: {  	[sflag:s0] =	ssyncadd.s32 $0xFFFFF000  }
0x115: {  	_ =	swait.ge [sflag:s1], $0x1000  }
0x116: {  	[sflag:s1] =	ssyncset.done $0x0  }
0x117: {  	[sflag:s1] =	ssyncadd.s32 $0xFFFFF000  }
0x118: {  	_ =	swait.ge [sflag:s0], $0x1000  }
0x119: {  	[sflag:s0] =	ssyncset.done $0x0  }
0x11a: {  	[sflag:s0] =	ssyncadd.s32 $0xFFFFF000  }
0x11b: {  	_ =	swait.ge [sflag:s1], $0x1000  }
0x11c: {  	s2 =	sld [smem:$0x7FD];
	_ =	sdelay $0x2  }
0x11d: {  	s31 =	rddreg [dreg:$0x1f];
	s2 =	sadd.s32 $0x1, s2  }
0x11e: {  	p0 =	sne.s32 s2, s31  }
.Ltmp2:
0x11f: {  	_ = 	snop;
	(pc) =	sbr.rel @p0 .LBB2_1-.Ltmp2, $3  }
0x120: {  	_ =	sdelay $0x1  }
0x121: {  	[sflag:s1] =	ssyncset.done $0x0  }
0x122: {  	[sflag:s1] =	ssyncadd.s32 $0xFFFFF000  }
0x123: {  	_ =	sfence.sel $0x180000  }
0x124: {  	[bflag:$0x0] =	sbarrier.arrive $0xFFFF  }
0x125: {  	_ =	strace $0x90000047  }
0x126: {  	s0 =	stileid.u32;
	[bflag:$0x2] =	sbarrier.arrive $0xFFFF  }
0x127: {  	p0 =	sne.s32 s0, $0x0;
	s0 =	rddreg [dreg:$0x3]  }
0x128: {  	s0 =	sadd.s32 @!p0 $0x100000, s0  }
0x129: {  	[sflag:s0] =	ssyncadd.tile.s32 @!p0 $0x1;
	_ =	shalt  }
.Lfunc_end2:
_tile_overlayer_lowered:
.L_overlay_start_2:
0x12a: {  	(tag) =	ssettag $0x2  }
0x12b: {  	s0 =	rddreg [dreg:$0x0];
	s2 =	stileid.u32  }
0x12c: {  	s1 =	rddreg [dreg:$0x1];
	p0 =	sne.s32 s2, $0x0  }
0x12d: {  	s3 =	rddreg [dreg:$0x2];
	[bflag:$0x3] =	sbarrier.arrive $0xFFFF;
	s2 =	simm.s32 @!p0 $0x1C05  }
0x12e: {  	[timem:s3], [sflag:s2] =	dma.local @!p0 [hbm:s0], s1  }
0x12f: {  	s0 =	simm.s32 @!p0 $0x5  }
0x130: {  	_ =	swait.ge @!p0 [sflag:s0], s1  }
0x131: {  	s1 =	ssub.s32 @!p0 $0x0, s1;
	[sflag:s0] =	ssyncset.done @!p0 $0x0  }
0x132: {  	[sflag:s0] =	ssyncadd.s32 @!p0 s1  }
0x133: {  	[bflag:$0x3] =	sbarrier.arrive $0xFFFF  }
0x134: {  	_ =	shalt  }

</sc_bundles>
